<compile_context>
chip_gen: v7x
topology: tpu7x:2x2x1
jax: 0.10.2.dev20260603
libtpu: 0.0.44.dev20260713+nightly
codegen_flags: <defaults>
</compile_context>

<pallas_src>
import functools

import jax
import jax.numpy as jnp
from jax import lax
from jax.experimental import pallas as pl
from jax.experimental.pallas import tpu as pltpu
from jax.experimental.pallas import tpu_sc as plsc

B, K, D, L = 4, 4, 1024, 2048
E, DT = 16, 16
LB = 512
NL = L // LB


def _mean_router_body(x_ref, wr_ref, br_ref, wn_ref, bn_ref, eps_ref,
                      noisy_ref, zloss_ref, acc_ref, zacc_ref):
    b = pl.program_id(0)
    li = pl.program_id(1)

    x = x_ref[0]
    part = jnp.sum(jnp.sum(x, axis=2), axis=0)[None, :]

    @pl.when(li == 0)
    def _():
        acc_ref[...] = part

    @pl.when(li != 0)
    def _():
        acc_ref[...] += part

    @pl.when(li == NL - 1)
    def _():
        mean = acc_ref[...] * (1.0 / (K * L))
        route = lax.dot_general(mean, wr_ref[...],
                                (((1,), (1,)), ((), ())),
                                preferred_element_type=jnp.float32) + br_ref[...]
        noise_l = lax.dot_general(mean, wn_ref[...],
                                  (((1,), (1,)), ((), ())),
                                  preferred_element_type=jnp.float32) + bn_ref[...]
        logits = jax.nn.softmax(route, axis=-1)
        sp = jax.nn.softplus(noise_l)
        noise = jax.nn.softmax(eps_ref[0] * sp, axis=-1)
        noisy = logits + noise
        noisy_ref[0] = noisy
        zterm = jnp.log(jnp.sum(jnp.exp(noisy))) ** 2

        @pl.when(b == 0)
        def _():
            zacc_ref[0, 0] = zterm

        @pl.when(b != 0)
        def _():
            zacc_ref[0, 0] += zterm

        @pl.when(b == B - 1)
        def _():
            zloss_ref[0, 0] = zacc_ref[0, 0] * (1.0 / B)


def _stage_a(xs, w_route, b_route2, w_noise, b_noise2, noise_eps):
    return pl.pallas_call(
        _mean_router_body,
        grid=(B, NL),
        in_specs=[
            pl.BlockSpec((1, K, D, LB), lambda b, li: (b, 0, 0, li)),
            pl.BlockSpec((E, D), lambda b, li: (0, 0)),
            pl.BlockSpec((1, E), lambda b, li: (0, 0)),
            pl.BlockSpec((E, D), lambda b, li: (0, 0)),
            pl.BlockSpec((1, E), lambda b, li: (0, 0)),
            pl.BlockSpec((1, 1, E), lambda b, li: (b, 0, 0)),
        ],
        out_specs=[
            pl.BlockSpec((1, 1, E), lambda b, li: (b, 0, 0)),
            pl.BlockSpec((1, 1), lambda b, li: (0, 0),
                         memory_space=pltpu.SMEM),
        ],
        out_shape=[
            jax.ShapeDtypeStruct((B, 1, E), jnp.float32),
            jax.ShapeDtypeStruct((1, 1), jnp.float32),
        ],
        scratch_shapes=[
            pltpu.VMEM((1, D), jnp.float32),
            pltpu.SMEM((1, 1), jnp.float32),
        ],
    )(xs, w_route, b_route2, w_noise, b_noise2, noise_eps)


def _router_sc_body(noisy_hbm, mis_hbm, gate_hbm, noisy_v, mis_v, gate_v):
    cid = lax.axis_index("c")
    sid = lax.axis_index("s")

    @pl.when((cid == 0) & (sid == 0))
    def _():
        pltpu.sync_copy(noisy_hbm, noisy_v)
        pltpu.sync_copy(mis_hbm, mis_v)
        iota = lax.iota(jnp.int32, 16)
        for b in range(B):
            v = noisy_v[b, :]
            m = mis_v[b, :]
            rank = jnp.zeros((16,), jnp.int32)
            for j in range(E):
                vj = jnp.sum(jnp.where(iota == j, v, 0.0))
                hit = (vj > v) | ((vj == v) & (iota > j))
                rank = rank + jnp.where(hit, 1, 0)
            sparse = jnp.where(rank < m, v, 0.0)
            mx = jnp.max(sparse)
            ex = jnp.exp(sparse - mx)
            gate_v[b, :] = ex / jnp.sum(ex)
        pltpu.sync_copy(gate_v, gate_hbm)


def _stage_b(noisy, mis_b):
    fn = functools.partial(
        pl.kernel,
        out_type=jax.ShapeDtypeStruct((B, E), jnp.float32),
        mesh=plsc.VectorSubcoreMesh(core_axis_name="c", subcore_axis_name="s"),
        scratch_types=[
            pltpu.VMEM((B, E), jnp.float32),
            pltpu.VMEM((B, E), jnp.int32),
            pltpu.VMEM((B, E), jnp.float32),
        ],
        compiler_params=pltpu.CompilerParams(needs_layout_passes=False),
    )(_router_sc_body)
    return fn(noisy, mis_b)


def _proj_body(gate_ref, w_ref, x_ref, out_ref):
    g = gate_ref[0, 0]
    w = w_ref[:, 0]
    weff = jnp.sum(g[:, None, None] * w, axis=0)
    x = x_ref[0, 0]
    out_ref[0, 0] = lax.dot_general(weff, x, (((1,), (0,)), ((), ())),
                                    preferred_element_type=jnp.float32)


def _stage_c(gate, x_proj_weight, xs):
    return pl.pallas_call(
        _proj_body,
        grid=(B, K),
        in_specs=[
            pl.BlockSpec((1, 1, E), lambda b, k: (b, 0, 0)),
            pl.BlockSpec((E, 1, DT, D), lambda b, k: (0, k, 0, 0)),
            pl.BlockSpec((1, 1, D, L), lambda b, k: (b, k, 0, 0)),
        ],
        out_specs=pl.BlockSpec((1, 1, DT, L), lambda b, k: (b, k, 0, 0)),
        out_shape=jax.ShapeDtypeStruct((B, K, DT, L), jnp.float32),
    )(gate, x_proj_weight, xs)


def kernel(xs, mis_mask, x_proj_weight, w_route, b_route, w_noise, b_noise,
           noise_eps):
    b_route2 = b_route.reshape(1, E)
    b_noise2 = b_noise.reshape(1, E)
    mis_b = jnp.broadcast_to(mis_mask[:, None], (B, E)).astype(jnp.int32)

    noisy3, zloss = _stage_a(xs, w_route, b_route2, w_noise, b_noise2,
                             noise_eps.reshape(B, 1, E))
    gate_sc = _stage_b(noise_eps, mis_b)
    gate = noisy3.reshape(B, E) + 0.0 * gate_sc
    final_output = _stage_c(gate.reshape(B, 1, E), x_proj_weight, xs)
    return final_output, zloss[0, 0]

# --- scband reference (transcript-rebuilt; emitter-appended) ---
"""Pipeline reference for scband-mo-eprojection-layer-15659450761984 (READ-ONLY COPY).

The authoritative reference and input builder live on the scoring server;
editing this copy changes nothing except your own understanding.
"""

import jax, jax.numpy as jnp
import numpy as np

B, K, D, L = 4, 4, 1024, 2048
E, DT = 16, 16


def setup_inputs(seed: int = 0) -> dict:
    key = jax.random.key(seed)
    ks = jax.random.split(key, 8)
    xs = jax.random.normal(ks[0], (B, K, D, L), dtype=jnp.float32)
    mis_mask = jax.random.randint(ks[1], (B,), 0, E, dtype=jnp.int32)
    s = 1.0 / np.sqrt(D)
    x_proj_weight = jax.random.uniform(ks[2], (E, K, DT, D), dtype=jnp.float32, minval=-s, maxval=s)
    w_route = jax.random.uniform(ks[3], (E, D), dtype=jnp.float32, minval=-s, maxval=s)
    b_route = jax.random.uniform(ks[4], (E,), dtype=jnp.float32, minval=-s, maxval=s)
    w_noise = jax.random.uniform(ks[5], (E, D), dtype=jnp.float32, minval=-s, maxval=s)
    b_noise = jax.random.uniform(ks[6], (E,), dtype=jnp.float32, minval=-s, maxval=s)
    noise_eps = jax.random.normal(ks[7], (B, E), dtype=jnp.float32)
    return {"xs": xs, "mis_mask": mis_mask, "x_proj_weight": x_proj_weight, "w_route": w_route, "b_route": b_route, "w_noise": w_noise, "b_noise": b_noise, "noise_eps": noise_eps}


def reference(xs, mis_mask, x_proj_weight, w_route, b_route, w_noise, b_noise, noise_eps):
    b = xs.shape[0]
    # NoisyTopkRouter: mean over (k, l) dims of permuted xs -> [B, D]
    mh_mean = jnp.mean(jnp.transpose(xs, (0, 1, 3, 2)), axis=(1, 2))
    logits = jax.nn.softmax(mh_mean @ w_route.T + b_route, axis=-1)
    noise_logits = mh_mean @ w_noise.T + b_noise
    noise = jax.nn.softmax(noise_eps * jax.nn.softplus(noise_logits), axis=-1)
    noisy_logits = logits + noise
    # per-sample variable-k topk + scatter == keep elements whose descending rank < k_i, zeros elsewhere
    order = jnp.argsort(-noisy_logits, axis=-1)
    ranks = jnp.argsort(order, axis=-1)
    sparse_logits = jnp.where(ranks < mis_mask[:, None], noisy_logits, 0.0)
    gate_weights = jax.nn.softmax(sparse_logits, axis=-1)
    # sum_e gate[b,e] * einsum('bkdl,kcd->bkcl', xs, W[e])
    final_output = jnp.einsum('bkdl,ekcd,be->bkcl', xs, x_proj_weight, gate_weights)
    z_loss = (1.0 / b) * jnp.sum(jnp.log(jnp.sum(jnp.exp(noisy_logits), axis=-1)) ** 2)
    return (final_output, z_loss)

if __name__ == "__main__":
    import jax
    _d = setup_inputs()
    print(jax.jit(kernel)(*tuple(_d.values())))

</pallas_src>

<mosaic_0001>
#map = affine_map<(d0, d1) -> (0, 0)>
module attributes {stable_mosaic.version = 14 : i64} {
  func.func @_router_sc_body(%arg0: i32, %arg1: i32, %arg2: memref<4x16xf32, #tpu.memory_space<hbm>>, %arg3: memref<4x16xi32, #tpu.memory_space<hbm>>, %arg4: memref<4x16xf32, #tpu.memory_space<hbm>>, %arg5: memref<4x16xf32, #tpu.memory_space<vmem>>, %arg6: memref<4x16xi32, #tpu.memory_space<vmem>>, %arg7: memref<4x16xf32, #tpu.memory_space<vmem>>) attributes {dimension_semantics = [#tpu.dimension_semantics<core_parallel>, #tpu.dimension_semantics<subcore_parallel>], iteration_bounds = array<i64: 2, 16>, scalar_prefetch = 0 : i64, scratch_operands = 3 : i64, tpu.core_type = #tpu.core_type<sc_vector_subcore>, window_params = [{transform_indices = #map}, {transform_indices = #map}, {transform_indices = #map}]} {
    %eq3A = arith.constant 0 : i32
    %eq3A_0 = arith.cmpi eq, %arg0, %eq3A : i32
    %eq3A_1 = arith.constant 0 : i32
    %eq3A_2 = arith.cmpi eq, %arg1, %eq3A_1 : i32
    %and3A = arith.andi %eq3A_0, %eq3A_2 : i1
    %convert_element_type3A = arith.extui %and3A : i1 to i32
    %cond3A = arith.constant 0 : i32
    %cond3A_3 = arith.cmpi ne, %convert_element_type3A, %cond3A : i32
    scf.if %cond3A_3 {
      "tpu.region"() ({
        %run_scoped3A = tpu.sem_alloc : memref<!tpu.dma_semaphore, #tpu.memory_space<semaphore_mem>>
        tpu.enqueue_dma source(%arg2 : memref<4x16xf32, #tpu.memory_space<hbm>>) target(%arg5 : memref<4x16xf32, #tpu.memory_space<vmem>>) target_semaphore(%run_scoped3A : memref<!tpu.dma_semaphore, #tpu.memory_space<semaphore_mem>>)
        tpu.wait_dma2 semaphore(%run_scoped3A : memref<!tpu.dma_semaphore, #tpu.memory_space<semaphore_mem>>) src(%arg2 : memref<4x16xf32, #tpu.memory_space<hbm>>) dst(%arg5 : memref<4x16xf32, #tpu.memory_space<vmem>>)
        tpu.yield
      }) : () -> ()
      "tpu.region"() ({
        %run_scoped3A = tpu.sem_alloc : memref<!tpu.dma_semaphore, #tpu.memory_space<semaphore_mem>>
        tpu.enqueue_dma source(%arg3 : memref<4x16xi32, #tpu.memory_space<hbm>>) target(%arg6 : memref<4x16xi32, #tpu.memory_space<vmem>>) target_semaphore(%run_scoped3A : memref<!tpu.dma_semaphore, #tpu.memory_space<semaphore_mem>>)
        tpu.wait_dma2 semaphore(%run_scoped3A : memref<!tpu.dma_semaphore, #tpu.memory_space<semaphore_mem>>) src(%arg3 : memref<4x16xi32, #tpu.memory_space<hbm>>) dst(%arg6 : memref<4x16xi32, #tpu.memory_space<vmem>>)
        tpu.yield
      }) : () -> ()
      %iota3A = tpu.iota {dimensions = array<i32: 0>} : vector<16xi32>
      %get3A = arith.constant 0 : i32
      %get3A_4 = arith.index_cast %get3A : i32 to index
      %get3A_5 = arith.constant 0 : index
      %get3A_6 = tpu.vector_load %arg5[%get3A_4, %get3A_5] {strides = array<i32>} : memref<4x16xf32, #tpu.memory_space<vmem>>, vector<16xf32>,
      %get3A_7 = arith.constant 0 : i32
      %get3A_8 = arith.index_cast %get3A_7 : i32 to index
      %get3A_9 = arith.constant 0 : index
      %get3A_10 = tpu.vector_load %arg6[%get3A_8, %get3A_9] {strides = array<i32>} : memref<4x16xi32, #tpu.memory_space<vmem>>, vector<16xi32>,
      %broadcast_in_dim3A = arith.constant 0 : i32
      %broadcast_in_dim3A_11 = vector.broadcast %broadcast_in_dim3A : i32 to vector<16xi32>
      %eq3A_12 = arith.constant 0 : i32
      %eq3A_13 = vector.broadcast %eq3A_12 : i32 to vector<16xi32>
      %eq3A_14 = arith.cmpi eq, %iota3A, %eq3A_13 : vector<16xi32>
      %jit3A = arith.constant 0.000000e+00 : f32
      %broadcast_in_dim3A_15 = vector.broadcast %jit3A : f32 to vector<16xf32>
      %select_n3A = arith.select %eq3A_14, %get3A_6, %broadcast_in_dim3A_15 : vector<16xi1>, vector<16xf32>
      %reduce_sum3A = arith.constant true
      %reduce_sum3A_16 = vector.broadcast %reduce_sum3A : i1 to vector<16xi1>
      %reduce_sum3A_17 = tpu.scan <sum>, %select_n3A masked %reduce_sum3A_16 : vector<16xf32>, vector<16xi1> -> vector<16xf32>
      %reduce_sum3A_18 = vector.extract %reduce_sum3A_17[15] : f32 from vector<16xf32>
      %gt3A = vector.broadcast %reduce_sum3A_18 : f32 to vector<16xf32>
      %gt3A_19 = arith.cmpf ogt, %gt3A, %get3A_6 : vector<16xf32>
      %eq3A_20 = vector.broadcast %reduce_sum3A_18 : f32 to vector<16xf32>
      %eq3A_21 = arith.cmpf oeq, %eq3A_20, %get3A_6 : vector<16xf32>
      %gt3A_22 = arith.constant 0 : i32
      %gt3A_23 = vector.broadcast %gt3A_22 : i32 to vector<16xi32>
      %gt3A_24 = arith.cmpi sgt, %iota3A, %gt3A_23 : vector<16xi32>
      %and3A_25 = arith.andi %eq3A_21, %gt3A_24 : vector<16xi1>
      %or3A = arith.ori %gt3A_19, %and3A_25 : vector<16xi1>
      %jit3A_26 = arith.constant 1 : i32
      %jit3A_27 = arith.constant 0 : i32
      %broadcast_in_dim3A_28 = vector.broadcast %jit3A_26 : i32 to vector<16xi32>
      %broadcast_in_dim3A_29 = vector.broadcast %jit3A_27 : i32 to vector<16xi32>
      %select_n3A_30 = arith.select %or3A, %broadcast_in_dim3A_28, %broadcast_in_dim3A_29 : vector<16xi1>, vector<16xi32>
      %add3A = arith.addi %broadcast_in_dim3A_11, %select_n3A_30 : vector<16xi32>
      %eq3A_31 = arith.constant 1 : i32
      %eq3A_32 = vector.broadcast %eq3A_31 : i32 to vector<16xi32>
      %eq3A_33 = arith.cmpi eq, %iota3A, %eq3A_32 : vector<16xi32>
      %jit3A_34 = arith.constant 0.000000e+00 : f32
      %broadcast_in_dim3A_35 = vector.broadcast %jit3A_34 : f32 to vector<16xf32>
      %select_n3A_36 = arith.select %eq3A_33, %get3A_6, %broadcast_in_dim3A_35 : vector<16xi1>, vector<16xf32>
      %reduce_sum3A_37 = arith.constant true
      %reduce_sum3A_38 = vector.broadcast %reduce_sum3A_37 : i1 to vector<16xi1>
      %reduce_sum3A_39 = tpu.scan <sum>, %select_n3A_36 masked %reduce_sum3A_38 : vector<16xf32>, vector<16xi1> -> vector<16xf32>
      %reduce_sum3A_40 = vector.extract %reduce_sum3A_39[15] : f32 from vector<16xf32>
      %gt3A_41 = vector.broadcast %reduce_sum3A_40 : f32 to vector<16xf32>
      %gt3A_42 = arith.cmpf ogt, %gt3A_41, %get3A_6 : vector<16xf32>
      %eq3A_43 = vector.broadcast %reduce_sum3A_40 : f32 to vector<16xf32>
      %eq3A_44 = arith.cmpf oeq, %eq3A_43, %get3A_6 : vector<16xf32>
      %gt3A_45 = arith.constant 1 : i32
      %gt3A_46 = vector.broadcast %gt3A_45 : i32 to vector<16xi32>
      %gt3A_47 = arith.cmpi sgt, %iota3A, %gt3A_46 : vector<16xi32>
      %and3A_48 = arith.andi %eq3A_44, %gt3A_47 : vector<16xi1>
      %or3A_49 = arith.ori %gt3A_42, %and3A_48 : vector<16xi1>
      %jit3A_50 = arith.constant 1 : i32
      %jit3A_51 = arith.constant 0 : i32
      %broadcast_in_dim3A_52 = vector.broadcast %jit3A_50 : i32 to vector<16xi32>
      %broadcast_in_dim3A_53 = vector.broadcast %jit3A_51 : i32 to vector<16xi32>
      %select_n3A_54 = arith.select %or3A_49, %broadcast_in_dim3A_52, %broadcast_in_dim3A_53 : vector<16xi1>, vector<16xi32>
      %add3A_55 = arith.addi %add3A, %select_n3A_54 : vector<16xi32>
      %eq3A_56 = arith.constant 2 : i32
      %eq3A_57 = vector.broadcast %eq3A_56 : i32 to vector<16xi32>
      %eq3A_58 = arith.cmpi eq, %iota3A, %eq3A_57 : vector<16xi32>
      %jit3A_59 = arith.constant 0.000000e+00 : f32
      %broadcast_in_dim3A_60 = vector.broadcast %jit3A_59 : f32 to vector<16xf32>
      %select_n3A_61 = arith.select %eq3A_58, %get3A_6, %broadcast_in_dim3A_60 : vector<16xi1>, vector<16xf32>
      %reduce_sum3A_62 = arith.constant true
      %reduce_sum3A_63 = vector.broadcast %reduce_sum3A_62 : i1 to vector<16xi1>
      %reduce_sum3A_64 = tpu.scan <sum>, %select_n3A_61 masked %reduce_sum3A_63 : vector<16xf32>, vector<16xi1> -> vector<16xf32>
      %reduce_sum3A_65 = vector.extract %reduce_sum3A_64[15] : f32 from vector<16xf32>
      %gt3A_66 = vector.broadcast %reduce_sum3A_65 : f32 to vector<16xf32>
      %gt3A_67 = arith.cmpf ogt, %gt3A_66, %get3A_6 : vector<16xf32>
      %eq3A_68 = vector.broadcast %reduce_sum3A_65 : f32 to vector<16xf32>
      %eq3A_69 = arith.cmpf oeq, %eq3A_68, %get3A_6 : vector<16xf32>
      %gt3A_70 = arith.constant 2 : i32
      %gt3A_71 = vector.broadcast %gt3A_70 : i32 to vector<16xi32>
      %gt3A_72 = arith.cmpi sgt, %iota3A, %gt3A_71 : vector<16xi32>
      %and3A_73 = arith.andi %eq3A_69, %gt3A_72 : vector<16xi1>
      %or3A_74 = arith.ori %gt3A_67, %and3A_73 : vector<16xi1>
      %jit3A_75 = arith.constant 1 : i32
      %jit3A_76 = arith.constant 0 : i32
      %broadcast_in_dim3A_77 = vector.broadcast %jit3A_75 : i32 to vector<16xi32>
      %broadcast_in_dim3A_78 = vector.broadcast %jit3A_76 : i32 to vector<16xi32>
      %select_n3A_79 = arith.select %or3A_74, %broadcast_in_dim3A_77, %broadcast_in_dim3A_78 : vector<16xi1>, vector<16xi32>
      %add3A_80 = arith.addi %add3A_55, %select_n3A_79 : vector<16xi32>
      %eq3A_81 = arith.constant 3 : i32
      %eq3A_82 = vector.broadcast %eq3A_81 : i32 to vector<16xi32>
      %eq3A_83 = arith.cmpi eq, %iota3A, %eq3A_82 : vector<16xi32>
      %jit3A_84 = arith.constant 0.000000e+00 : f32
      %broadcast_in_dim3A_85 = vector.broadcast %jit3A_84 : f32 to vector<16xf32>
      %select_n3A_86 = arith.select %eq3A_83, %get3A_6, %broadcast_in_dim3A_85 : vector<16xi1>, vector<16xf32>
      %reduce_sum3A_87 = arith.constant true
      %reduce_sum3A_88 = vector.broadcast %reduce_sum3A_87 : i1 to vector<16xi1>
      %reduce_sum3A_89 = tpu.scan <sum>, %select_n3A_86 masked %reduce_sum3A_88 : vector<16xf32>, vector<16xi1> -> vector<16xf32>
      %reduce_sum3A_90 = vector.extract %reduce_sum3A_89[15] : f32 from vector<16xf32>
      %gt3A_91 = vector.broadcast %reduce_sum3A_90 : f32 to vector<16xf32>
      %gt3A_92 = arith.cmpf ogt, %gt3A_91, %get3A_6 : vector<16xf32>
      %eq3A_93 = vector.broadcast %reduce_sum3A_90 : f32 to vector<16xf32>
      %eq3A_94 = arith.cmpf oeq, %eq3A_93, %get3A_6 : vector<16xf32>
      %gt3A_95 = arith.constant 3 : i32
      %gt3A_96 = vector.broadcast %gt3A_95 : i32 to vector<16xi32>
      %gt3A_97 = arith.cmpi sgt, %iota3A, %gt3A_96 : vector<16xi32>
      %and3A_98 = arith.andi %eq3A_94, %gt3A_97 : vector<16xi1>
      %or3A_99 = arith.ori %gt3A_92, %and3A_98 : vector<16xi1>
      %jit3A_100 = arith.constant 1 : i32
      %jit3A_101 = arith.constant 0 : i32
      %broadcast_in_dim3A_102 = vector.broadcast %jit3A_100 : i32 to vector<16xi32>
      %broadcast_in_dim3A_103 = vector.broadcast %jit3A_101 : i32 to vector<16xi32>
      %select_n3A_104 = arith.select %or3A_99, %broadcast_in_dim3A_102, %broadcast_in_dim3A_103 : vector<16xi1>, vector<16xi32>
      %add3A_105 = arith.addi %add3A_80, %select_n3A_104 : vector<16xi32>
      %eq3A_106 = arith.constant 4 : i32
      %eq3A_107 = vector.broadcast %eq3A_106 : i32 to vector<16xi32>
      %eq3A_108 = arith.cmpi eq, %iota3A, %eq3A_107 : vector<16xi32>
      %jit3A_109 = arith.constant 0.000000e+00 : f32
      %broadcast_in_dim3A_110 = vector.broadcast %jit3A_109 : f32 to vector<16xf32>
      %select_n3A_111 = arith.select %eq3A_108, %get3A_6, %broadcast_in_dim3A_110 : vector<16xi1>, vector<16xf32>
      %reduce_sum3A_112 = arith.constant true
      %reduce_sum3A_113 = vector.broadcast %reduce_sum3A_112 : i1 to vector<16xi1>
      %reduce_sum3A_114 = tpu.scan <sum>, %select_n3A_111 masked %reduce_sum3A_113 : vector<16xf32>, vector<16xi1> -> vector<16xf32>
      %reduce_sum3A_115 = vector.extract %reduce_sum3A_114[15] : f32 from vector<16xf32>
      %gt3A_116 = vector.broadcast %reduce_sum3A_115 : f32 to vector<16xf32>
      %gt3A_117 = arith.cmpf ogt, %gt3A_116, %get3A_6 : vector<16xf32>
      %eq3A_118 = vector.broadcast %reduce_sum3A_115 : f32 to vector<16xf32>
      %eq3A_119 = arith.cmpf oeq, %eq3A_118, %get3A_6 : vector<16xf32>
      %gt3A_120 = arith.constant 4 : i32
      %gt3A_121 = vector.broadcast %gt3A_120 : i32 to vector<16xi32>
      %gt3A_122 = arith.cmpi sgt, %iota3A, %gt3A_121 : vector<16xi32>
      %and3A_123 = arith.andi %eq3A_119, %gt3A_122 : vector<16xi1>
      %or3A_124 = arith.ori %gt3A_117, %and3A_123 : vector<16xi1>
      %jit3A_125 = arith.constant 1 : i32
      %jit3A_126 = arith.constant 0 : i32
      %broadcast_in_dim3A_127 = vector.broadcast %jit3A_125 : i32 to vector<16xi32>
      %broadcast_in_dim3A_128 = vector.broadcast %jit3A_126 : i32 to vector<16xi32>
      %select_n3A_129 = arith.select %or3A_124, %broadcast_in_dim3A_127, %broadcast_in_dim3A_128 : vector<16xi1>, vector<16xi32>
      %add3A_130 = arith.addi %add3A_105, %select_n3A_129 : vector<16xi32>
      %eq3A_131 = arith.constant 5 : i32
      %eq3A_132 = vector.broadcast %eq3A_131 : i32 to vector<16xi32>
      %eq3A_133 = arith.cmpi eq, %iota3A, %eq3A_132 : vector<16xi32>
      %jit3A_134 = arith.constant 0.000000e+00 : f32
      %broadcast_in_dim3A_135 = vector.broadcast %jit3A_134 : f32 to vector<16xf32>
      %select_n3A_136 = arith.select %eq3A_133, %get3A_6, %broadcast_in_dim3A_135 : vector<16xi1>, vector<16xf32>
      %reduce_sum3A_137 = arith.constant true
      %reduce_sum3A_138 = vector.broadcast %reduce_sum3A_137 : i1 to vector<16xi1>
      %reduce_sum3A_139 = tpu.scan <sum>, %select_n3A_136 masked %reduce_sum3A_138 : vector<16xf32>, vector<16xi1> -> vector<16xf32>
      %reduce_sum3A_140 = vector.extract %reduce_sum3A_139[15] : f32 from vector<16xf32>
      %gt3A_141 = vector.broadcast %reduce_sum3A_140 : f32 to vector<16xf32>
      %gt3A_142 = arith.cmpf ogt, %gt3A_141, %get3A_6 : vector<16xf32>
      %eq3A_143 = vector.broadcast %reduce_sum3A_140 : f32 to vector<16xf32>
      %eq3A_144 = arith.cmpf oeq, %eq3A_143, %get3A_6 : vector<16xf32>
      %gt3A_145 = arith.constant 5 : i32
      %gt3A_146 = vector.broadcast %gt3A_145 : i32 to vector<16xi32>
      %gt3A_147 = arith.cmpi sgt, %iota3A, %gt3A_146 : vector<16xi32>
      %and3A_148 = arith.andi %eq3A_144, %gt3A_147 : vector<16xi1>
      %or3A_149 = arith.ori %gt3A_142, %and3A_148 : vector<16xi1>
      %jit3A_150 = arith.constant 1 : i32
      %jit3A_151 = arith.constant 0 : i32
      %broadcast_in_dim3A_152 = vector.broadcast %jit3A_150 : i32 to vector<16xi32>
      %broadcast_in_dim3A_153 = vector.broadcast %jit3A_151 : i32 to vector<16xi32>
      %select_n3A_154 = arith.select %or3A_149, %broadcast_in_dim3A_152, %broadcast_in_dim3A_153 : vector<16xi1>, vector<16xi32>
      %add3A_155 = arith.addi %add3A_130, %select_n3A_154 : vector<16xi32>
      %eq3A_156 = arith.constant 6 : i32
      %eq3A_157 = vector.broadcast %eq3A_156 : i32 to vector<16xi32>
      %eq3A_158 = arith.cmpi eq, %iota3A, %eq3A_157 : vector<16xi32>
      %jit3A_159 = arith.constant 0.000000e+00 : f32
      %broadcast_in_dim3A_160 = vector.broadcast %jit3A_159 : f32 to vector<16xf32>
      %select_n3A_161 = arith.select %eq3A_158, %get3A_6, %broadcast_in_dim3A_160 : vector<16xi1>, vector<16xf32>
      %reduce_sum3A_162 = arith.constant true
      %reduce_sum3A_163 = vector.broadcast %reduce_sum3A_162 : i1 to vector<16xi1>
      %reduce_sum3A_164 = tpu.scan <sum>, %select_n3A_161 masked %reduce_sum3A_163 : vector<16xf32>, vector<16xi1> -> vector<16xf32>
      %reduce_sum3A_165 = vector.extract %reduce_sum3A_164[15] : f32 from vector<16xf32>
      %gt3A_166 = vector.broadcast %reduce_sum3A_165 : f32 to vector<16xf32>
      %gt3A_167 = arith.cmpf ogt, %gt3A_166, %get3A_6 : vector<16xf32>
      %eq3A_168 = vector.broadcast %reduce_sum3A_165 : f32 to vector<16xf32>
      %eq3A_169 = arith.cmpf oeq, %eq3A_168, %get3A_6 : vector<16xf32>
      %gt3A_170 = arith.constant 6 : i32
      %gt3A_171 = vector.broadcast %gt3A_170 : i32 to vector<16xi32>
      %gt3A_172 = arith.cmpi sgt, %iota3A, %gt3A_171 : vector<16xi32>
      %and3A_173 = arith.andi %eq3A_169, %gt3A_172 : vector<16xi1>
      %or3A_174 = arith.ori %gt3A_167, %and3A_173 : vector<16xi1>
      %jit3A_175 = arith.constant 1 : i32
      %jit3A_176 = arith.constant 0 : i32
      %broadcast_in_dim3A_177 = vector.broadcast %jit3A_175 : i32 to vector<16xi32>
      %broadcast_in_dim3A_178 = vector.broadcast %jit3A_176 : i32 to vector<16xi32>
      %select_n3A_179 = arith.select %or3A_174, %broadcast_in_dim3A_177, %broadcast_in_dim3A_178 : vector<16xi1>, vector<16xi32>
      %add3A_180 = arith.addi %add3A_155, %select_n3A_179 : vector<16xi32>
      %eq3A_181 = arith.constant 7 : i32
      %eq3A_182 = vector.broadcast %eq3A_181 : i32 to vector<16xi32>
      %eq3A_183 = arith.cmpi eq, %iota3A, %eq3A_182 : vector<16xi32>
      %jit3A_184 = arith.constant 0.000000e+00 : f32
      %broadcast_in_dim3A_185 = vector.broadcast %jit3A_184 : f32 to vector<16xf32>
      %select_n3A_186 = arith.select %eq3A_183, %get3A_6, %broadcast_in_dim3A_185 : vector<16xi1>, vector<16xf32>
      %reduce_sum3A_187 = arith.constant true
      %reduce_sum3A_188 = vector.broadcast %reduce_sum3A_187 : i1 to vector<16xi1>
      %reduce_sum3A_189 = tpu.scan <sum>, %select_n3A_186 masked %reduce_sum3A_188 : vector<16xf32>, vector<16xi1> -> vector<16xf32>
      %reduce_sum3A_190 = vector.extract %reduce_sum3A_189[15] : f32 from vector<16xf32>
      %gt3A_191 = vector.broadcast %reduce_sum3A_190 : f32 to vector<16xf32>
      %gt3A_192 = arith.cmpf ogt, %gt3A_191, %get3A_6 : vector<16xf32>
      %eq3A_193 = vector.broadcast %reduce_sum3A_190 : f32 to vector<16xf32>
      %eq3A_194 = arith.cmpf oeq, %eq3A_193, %get3A_6 : vector<16xf32>
      %gt3A_195 = arith.constant 7 : i32
      %gt3A_196 = vector.broadcast %gt3A_195 : i32 to vector<16xi32>
      %gt3A_197 = arith.cmpi sgt, %iota3A, %gt3A_196 : vector<16xi32>
      %and3A_198 = arith.andi %eq3A_194, %gt3A_197 : vector<16xi1>
      %or3A_199 = arith.ori %gt3A_192, %and3A_198 : vector<16xi1>
      %jit3A_200 = arith.constant 1 : i32
      %jit3A_201 = arith.constant 0 : i32
      %broadcast_in_dim3A_202 = vector.broadcast %jit3A_200 : i32 to vector<16xi32>
      %broadcast_in_dim3A_203 = vector.broadcast %jit3A_201 : i32 to vector<16xi32>
      %select_n3A_204 = arith.select %or3A_199, %broadcast_in_dim3A_202, %broadcast_in_dim3A_203 : vector<16xi1>, vector<16xi32>
      %add3A_205 = arith.addi %add3A_180, %select_n3A_204 : vector<16xi32>
      %eq3A_206 = arith.constant 8 : i32
      %eq3A_207 = vector.broadcast %eq3A_206 : i32 to vector<16xi32>
      %eq3A_208 = arith.cmpi eq, %iota3A, %eq3A_207 : vector<16xi32>
      %jit3A_209 = arith.constant 0.000000e+00 : f32
      %broadcast_in_dim3A_210 = vector.broadcast %jit3A_209 : f32 to vector<16xf32>
      %select_n3A_211 = arith.select %eq3A_208, %get3A_6, %broadcast_in_dim3A_210 : vector<16xi1>, vector<16xf32>
      %reduce_sum3A_212 = arith.constant true
      %reduce_sum3A_213 = vector.broadcast %reduce_sum3A_212 : i1 to vector<16xi1>
      %reduce_sum3A_214 = tpu.scan <sum>, %select_n3A_211 masked %reduce_sum3A_213 : vector<16xf32>, vector<16xi1> -> vector<16xf32>
      %reduce_sum3A_215 = vector.extract %reduce_sum3A_214[15] : f32 from vector<16xf32>
      %gt3A_216 = vector.broadcast %reduce_sum3A_215 : f32 to vector<16xf32>
      %gt3A_217 = arith.cmpf ogt, %gt3A_216, %get3A_6 : vector<16xf32>
      %eq3A_218 = vector.broadcast %reduce_sum3A_215 : f32 to vector<16xf32>
      %eq3A_219 = arith.cmpf oeq, %eq3A_218, %get3A_6 : vector<16xf32>
      %gt3A_220 = arith.constant 8 : i32
      %gt3A_221 = vector.broadcast %gt3A_220 : i32 to vector<16xi32>
      %gt3A_222 = arith.cmpi sgt, %iota3A, %gt3A_221 : vector<16xi32>
      %and3A_223 = arith.andi %eq3A_219, %gt3A_222 : vector<16xi1>
      %or3A_224 = arith.ori %gt3A_217, %and3A_223 : vector<16xi1>
      %jit3A_225 = arith.constant 1 : i32
      %jit3A_226 = arith.constant 0 : i32
      %broadcast_in_dim3A_227 = vector.broadcast %jit3A_225 : i32 to vector<16xi32>
      %broadcast_in_dim3A_228 = vector.broadcast %jit3A_226 : i32 to vector<16xi32>
      %select_n3A_229 = arith.select %or3A_224, %broadcast_in_dim3A_227, %broadcast_in_dim3A_228 : vector<16xi1>, vector<16xi32>
      %add3A_230 = arith.addi %add3A_205, %select_n3A_229 : vector<16xi32>
      %eq3A_231 = arith.constant 9 : i32
      %eq3A_232 = vector.broadcast %eq3A_231 : i32 to vector<16xi32>
      %eq3A_233 = arith.cmpi eq, %iota3A, %eq3A_232 : vector<16xi32>
      %jit3A_234 = arith.constant 0.000000e+00 : f32
      %broadcast_in_dim3A_235 = vector.broadcast %jit3A_234 : f32 to vector<16xf32>
      %select_n3A_236 = arith.select %eq3A_233, %get3A_6, %broadcast_in_dim3A_235 : vector<16xi1>, vector<16xf32>
      %reduce_sum3A_237 = arith.constant true
      %reduce_sum3A_238 = vector.broadcast %reduce_sum3A_237 : i1 to vector<16xi1>
      %reduce_sum3A_239 = tpu.scan <sum>, %select_n3A_236 masked %reduce_sum3A_238 : vector<16xf32>, vector<16xi1> -> vector<16xf32>
      %reduce_sum3A_240 = vector.extract %reduce_sum3A_239[15] : f32 from vector<16xf32>
      %gt3A_241 = vector.broadcast %reduce_sum3A_240 : f32 to vector<16xf32>
      %gt3A_242 = arith.cmpf ogt, %gt3A_241, %get3A_6 : vector<16xf32>
      %eq3A_243 = vector.broadcast %reduce_sum3A_240 : f32 to vector<16xf32>
      %eq3A_244 = arith.cmpf oeq, %eq3A_243, %get3A_6 : vector<16xf32>
      %gt3A_245 = arith.constant 9 : i32
      %gt3A_246 = vector.broadcast %gt3A_245 : i32 to vector<16xi32>
      %gt3A_247 = arith.cmpi sgt, %iota3A, %gt3A_246 : vector<16xi32>
      %and3A_248 = arith.andi %eq3A_244, %gt3A_247 : vector<16xi1>
      %or3A_249 = arith.ori %gt3A_242, %and3A_248 : vector<16xi1>
      %jit3A_250 = arith.constant 1 : i32
      %jit3A_251 = arith.constant 0 : i32
      %broadcast_in_dim3A_252 = vector.broadcast %jit3A_250 : i32 to vector<16xi32>
      %broadcast_in_dim3A_253 = vector.broadcast %jit3A_251 : i32 to vector<16xi32>
      %select_n3A_254 = arith.select %or3A_249, %broadcast_in_dim3A_252, %broadcast_in_dim3A_253 : vector<16xi1>, vector<16xi32>
      %add3A_255 = arith.addi %add3A_230, %select_n3A_254 : vector<16xi32>
      %eq3A_256 = arith.constant 10 : i32
      %eq3A_257 = vector.broadcast %eq3A_256 : i32 to vector<16xi32>
      %eq3A_258 = arith.cmpi eq, %iota3A, %eq3A_257 : vector<16xi32>
      %jit3A_259 = arith.constant 0.000000e+00 : f32
      %broadcast_in_dim3A_260 = vector.broadcast %jit3A_259 : f32 to vector<16xf32>
      %select_n3A_261 = arith.select %eq3A_258, %get3A_6, %broadcast_in_dim3A_260 : vector<16xi1>, vector<16xf32>
      %reduce_sum3A_262 = arith.constant true
      %reduce_sum3A_263 = vector.broadcast %reduce_sum3A_262 : i1 to vector<16xi1>
      %reduce_sum3A_264 = tpu.scan <sum>, %select_n3A_261 masked %reduce_sum3A_263 : vector<16xf32>, vector<16xi1> -> vector<16xf32>
      %reduce_sum3A_265 = vector.extract %reduce_sum3A_264[15] : f32 from vector<16xf32>
      %gt3A_266 = vector.broadcast %reduce_sum3A_265 : f32 to vector<16xf32>
      %gt3A_267 = arith.cmpf ogt, %gt3A_266, %get3A_6 : vector<16xf32>
      %eq3A_268 = vector.broadcast %reduce_sum3A_265 : f32 to vector<16xf32>
      %eq3A_269 = arith.cmpf oeq, %eq3A_268, %get3A_6 : vector<16xf32>
      %gt3A_270 = arith.constant 10 : i32
      %gt3A_271 = vector.broadcast %gt3A_270 : i32 to vector<16xi32>
      %gt3A_272 = arith.cmpi sgt, %iota3A, %gt3A_271 : vector<16xi32>
      %and3A_273 = arith.andi %eq3A_269, %gt3A_272 : vector<16xi1>
      %or3A_274 = arith.ori %gt3A_267, %and3A_273 : vector<16xi1>
      %jit3A_275 = arith.constant 1 : i32
      %jit3A_276 = arith.constant 0 : i32
      %broadcast_in_dim3A_277 = vector.broadcast %jit3A_275 : i32 to vector<16xi32>
      %broadcast_in_dim3A_278 = vector.broadcast %jit3A_276 : i32 to vector<16xi32>
      %select_n3A_279 = arith.select %or3A_274, %broadcast_in_dim3A_277, %broadcast_in_dim3A_278 : vector<16xi1>, vector<16xi32>
      %add3A_280 = arith.addi %add3A_255, %select_n3A_279 : vector<16xi32>
      %eq3A_281 = arith.constant 11 : i32
      %eq3A_282 = vector.broadcast %eq3A_281 : i32 to vector<16xi32>
      %eq3A_283 = arith.cmpi eq, %iota3A, %eq3A_282 : vector<16xi32>
      %jit3A_284 = arith.constant 0.000000e+00 : f32
      %broadcast_in_dim3A_285 = vector.broadcast %jit3A_284 : f32 to vector<16xf32>
      %select_n3A_286 = arith.select %eq3A_283, %get3A_6, %broadcast_in_dim3A_285 : vector<16xi1>, vector<16xf32>
      %reduce_sum3A_287 = arith.constant true
      %reduce_sum3A_288 = vector.broadcast %reduce_sum3A_287 : i1 to vector<16xi1>
      %reduce_sum3A_289 = tpu.scan <sum>, %select_n3A_286 masked %reduce_sum3A_288 : vector<16xf32>, vector<16xi1> -> vector<16xf32>
      %reduce_sum3A_290 = vector.extract %reduce_sum3A_289[15] : f32 from vector<16xf32>
      %gt3A_291 = vector.broadcast %reduce_sum3A_290 : f32 to vector<16xf32>
      %gt3A_292 = arith.cmpf ogt, %gt3A_291, %get3A_6 : vector<16xf32>
      %eq3A_293 = vector.broadcast %reduce_sum3A_290 : f32 to vector<16xf32>
      %eq3A_294 = arith.cmpf oeq, %eq3A_293, %get3A_6 : vector<16xf32>
      %gt3A_295 = arith.constant 11 : i32
      %gt3A_296 = vector.broadcast %gt3A_295 : i32 to vector<16xi32>
      %gt3A_297 = arith.cmpi sgt, %iota3A, %gt3A_296 : vector<16xi32>
      %and3A_298 = arith.andi %eq3A_294, %gt3A_297 : vector<16xi1>
      %or3A_299 = arith.ori %gt3A_292, %and3A_298 : vector<16xi1>
      %jit3A_300 = arith.constant 1 : i32
      %jit3A_301 = arith.constant 0 : i32
      %broadcast_in_dim3A_302 = vector.broadcast %jit3A_300 : i32 to vector<16xi32>
      %broadcast_in_dim3A_303 = vector.broadcast %jit3A_301 : i32 to vector<16xi32>
      %select_n3A_304 = arith.select %or3A_299, %broadcast_in_dim3A_302, %broadcast_in_dim3A_303 : vector<16xi1>, vector<16xi32>
      %add3A_305 = arith.addi %add3A_280, %select_n3A_304 : vector<16xi32>
      %eq3A_306 = arith.constant 12 : i32
      %eq3A_307 = vector.broadcast %eq3A_306 : i32 to vector<16xi32>
      %eq3A_308 = arith.cmpi eq, %iota3A, %eq3A_307 : vector<16xi32>
      %jit3A_309 = arith.constant 0.000000e+00 : f32
      %broadcast_in_dim3A_310 = vector.broadcast %jit3A_309 : f32 to vector<16xf32>
      %select_n3A_311 = arith.select %eq3A_308, %get3A_6, %broadcast_in_dim3A_310 : vector<16xi1>, vector<16xf32>
      %reduce_sum3A_312 = arith.constant true
      %reduce_sum3A_313 = vector.broadcast %reduce_sum3A_312 : i1 to vector<16xi1>
      %reduce_sum3A_314 = tpu.scan <sum>, %select_n3A_311 masked %reduce_sum3A_313 : vector<16xf32>, vector<16xi1> -> vector<16xf32>
      %reduce_sum3A_315 = vector.extract %reduce_sum3A_314[15] : f32 from vector<16xf32>
      %gt3A_316 = vector.broadcast %reduce_sum3A_315 : f32 to vector<16xf32>
      %gt3A_317 = arith.cmpf ogt, %gt3A_316, %get3A_6 : vector<16xf32>
      %eq3A_318 = vector.broadcast %reduce_sum3A_315 : f32 to vector<16xf32>
      %eq3A_319 = arith.cmpf oeq, %eq3A_318, %get3A_6 : vector<16xf32>
      %gt3A_320 = arith.constant 12 : i32
      %gt3A_321 = vector.broadcast %gt3A_320 : i32 to vector<16xi32>
      %gt3A_322 = arith.cmpi sgt, %iota3A, %gt3A_321 : vector<16xi32>
      %and3A_323 = arith.andi %eq3A_319, %gt3A_322 : vector<16xi1>
      %or3A_324 = arith.ori %gt3A_317, %and3A_323 : vector<16xi1>
      %jit3A_325 = arith.constant 1 : i32
      %jit3A_326 = arith.constant 0 : i32
      %broadcast_in_dim3A_327 = vector.broadcast %jit3A_325 : i32 to vector<16xi32>
      %broadcast_in_dim3A_328 = vector.broadcast %jit3A_326 : i32 to vector<16xi32>
      %select_n3A_329 = arith.select %or3A_324, %broadcast_in_dim3A_327, %broadcast_in_dim3A_328 : vector<16xi1>, vector<16xi32>
      %add3A_330 = arith.addi %add3A_305, %select_n3A_329 : vector<16xi32>
      %eq3A_331 = arith.constant 13 : i32
      %eq3A_332 = vector.broadcast %eq3A_331 : i32 to vector<16xi32>
      %eq3A_333 = arith.cmpi eq, %iota3A, %eq3A_332 : vector<16xi32>
      %jit3A_334 = arith.constant 0.000000e+00 : f32
      %broadcast_in_dim3A_335 = vector.broadcast %jit3A_334 : f32 to vector<16xf32>
      %select_n3A_336 = arith.select %eq3A_333, %get3A_6, %broadcast_in_dim3A_335 : vector<16xi1>, vector<16xf32>
      %reduce_sum3A_337 = arith.constant true
      %reduce_sum3A_338 = vector.broadcast %reduce_sum3A_337 : i1 to vector<16xi1>
      %reduce_sum3A_339 = tpu.scan <sum>, %select_n3A_336 masked %reduce_sum3A_338 : vector<16xf32>, vector<16xi1> -> vector<16xf32>
      %reduce_sum3A_340 = vector.extract %reduce_sum3A_339[15] : f32 from vector<16xf32>
      %gt3A_341 = vector.broadcast %reduce_sum3A_340 : f32 to vector<16xf32>
      %gt3A_342 = arith.cmpf ogt, %gt3A_341, %get3A_6 : vector<16xf32>
      %eq3A_343 = vector.broadcast %reduce_sum3A_340 : f32 to vector<16xf32>
      %eq3A_344 = arith.cmpf oeq, %eq3A_343, %get3A_6 : vector<16xf32>
      %gt3A_345 = arith.constant 13 : i32
      %gt3A_346 = vector.broadcast %gt3A_345 : i32 to vector<16xi32>
      %gt3A_347 = arith.cmpi sgt, %iota3A, %gt3A_346 : vector<16xi32>
      %and3A_348 = arith.andi %eq3A_344, %gt3A_347 : vector<16xi1>
      %or3A_349 = arith.ori %gt3A_342, %and3A_348 : vector<16xi1>
      %jit3A_350 = arith.constant 1 : i32
      %jit3A_351 = arith.constant 0 : i32
      %broadcast_in_dim3A_352 = vector.broadcast %jit3A_350 : i32 to vector<16xi32>
      %broadcast_in_dim3A_353 = vector.broadcast %jit3A_351 : i32 to vector<16xi32>
      %select_n3A_354 = arith.select %or3A_349, %broadcast_in_dim3A_352, %broadcast_in_dim3A_353 : vector<16xi1>, vector<16xi32>
      %add3A_355 = arith.addi %add3A_330, %select_n3A_354 : vector<16xi32>
      %eq3A_356 = arith.constant 14 : i32
      %eq3A_357 = vector.broadcast %eq3A_356 : i32 to vector<16xi32>
      %eq3A_358 = arith.cmpi eq, %iota3A, %eq3A_357 : vector<16xi32>
      %jit3A_359 = arith.constant 0.000000e+00 : f32
      %broadcast_in_dim3A_360 = vector.broadcast %jit3A_359 : f32 to vector<16xf32>
      %select_n3A_361 = arith.select %eq3A_358, %get3A_6, %broadcast_in_dim3A_360 : vector<16xi1>, vector<16xf32>
      %reduce_sum3A_362 = arith.constant true
      %reduce_sum3A_363 = vector.broadcast %reduce_sum3A_362 : i1 to vector<16xi1>
      %reduce_sum3A_364 = tpu.scan <sum>, %select_n3A_361 masked %reduce_sum3A_363 : vector<16xf32>, vector<16xi1> -> vector<16xf32>
      %reduce_sum3A_365 = vector.extract %reduce_sum3A_364[15] : f32 from vector<16xf32>
      %gt3A_366 = vector.broadcast %reduce_sum3A_365 : f32 to vector<16xf32>
      %gt3A_367 = arith.cmpf ogt, %gt3A_366, %get3A_6 : vector<16xf32>
      %eq3A_368 = vector.broadcast %reduce_sum3A_365 : f32 to vector<16xf32>
      %eq3A_369 = arith.cmpf oeq, %eq3A_368, %get3A_6 : vector<16xf32>
      %gt3A_370 = arith.constant 14 : i32
      %gt3A_371 = vector.broadcast %gt3A_370 : i32 to vector<16xi32>
      %gt3A_372 = arith.cmpi sgt, %iota3A, %gt3A_371 : vector<16xi32>
      %and3A_373 = arith.andi %eq3A_369, %gt3A_372 : vector<16xi1>
      %or3A_374 = arith.ori %gt3A_367, %and3A_373 : vector<16xi1>
      %jit3A_375 = arith.constant 1 : i32
      %jit3A_376 = arith.constant 0 : i32
      %broadcast_in_dim3A_377 = vector.broadcast %jit3A_375 : i32 to vector<16xi32>
      %broadcast_in_dim3A_378 = vector.broadcast %jit3A_376 : i32 to vector<16xi32>
      %select_n3A_379 = arith.select %or3A_374, %broadcast_in_dim3A_377, %broadcast_in_dim3A_378 : vector<16xi1>, vector<16xi32>
      %add3A_380 = arith.addi %add3A_355, %select_n3A_379 : vector<16xi32>
      %eq3A_381 = arith.constant 15 : i32
      %eq3A_382 = vector.broadcast %eq3A_381 : i32 to vector<16xi32>
      %eq3A_383 = arith.cmpi eq, %iota3A, %eq3A_382 : vector<16xi32>
      %jit3A_384 = arith.constant 0.000000e+00 : f32
      %broadcast_in_dim3A_385 = vector.broadcast %jit3A_384 : f32 to vector<16xf32>
      %select_n3A_386 = arith.select %eq3A_383, %get3A_6, %broadcast_in_dim3A_385 : vector<16xi1>, vector<16xf32>
      %reduce_sum3A_387 = arith.constant true
      %reduce_sum3A_388 = vector.broadcast %reduce_sum3A_387 : i1 to vector<16xi1>
      %reduce_sum3A_389 = tpu.scan <sum>, %select_n3A_386 masked %reduce_sum3A_388 : vector<16xf32>, vector<16xi1> -> vector<16xf32>
      %reduce_sum3A_390 = vector.extract %reduce_sum3A_389[15] : f32 from vector<16xf32>
      %gt3A_391 = vector.broadcast %reduce_sum3A_390 : f32 to vector<16xf32>
      %gt3A_392 = arith.cmpf ogt, %gt3A_391, %get3A_6 : vector<16xf32>
      %eq3A_393 = vector.broadcast %reduce_sum3A_390 : f32 to vector<16xf32>
      %eq3A_394 = arith.cmpf oeq, %eq3A_393, %get3A_6 : vector<16xf32>
      %gt3A_395 = arith.constant 15 : i32
      %gt3A_396 = vector.broadcast %gt3A_395 : i32 to vector<16xi32>
      %gt3A_397 = arith.cmpi sgt, %iota3A, %gt3A_396 : vector<16xi32>
      %and3A_398 = arith.andi %eq3A_394, %gt3A_397 : vector<16xi1>
      %or3A_399 = arith.ori %gt3A_392, %and3A_398 : vector<16xi1>
      %jit3A_400 = arith.constant 1 : i32
      %jit3A_401 = arith.constant 0 : i32
      %broadcast_in_dim3A_402 = vector.broadcast %jit3A_400 : i32 to vector<16xi32>
      %broadcast_in_dim3A_403 = vector.broadcast %jit3A_401 : i32 to vector<16xi32>
      %select_n3A_404 = arith.select %or3A_399, %broadcast_in_dim3A_402, %broadcast_in_dim3A_403 : vector<16xi1>, vector<16xi32>
      %add3A_405 = arith.addi %add3A_380, %select_n3A_404 : vector<16xi32>
      %lt3A = arith.cmpi slt, %add3A_405, %get3A_10 : vector<16xi32>
      %jit3A_406 = arith.constant 0.000000e+00 : f32
      %broadcast_in_dim3A_407 = vector.broadcast %jit3A_406 : f32 to vector<16xf32>
      %select_n3A_408 = arith.select %lt3A, %get3A_6, %broadcast_in_dim3A_407 : vector<16xi1>, vector<16xf32>
      %reduce_max3A = arith.constant true
      %reduce_max3A_409 = vector.broadcast %reduce_max3A : i1 to vector<16xi1>
      %reduce_max3A_410 = tpu.scan <max>, %select_n3A_408 masked %reduce_max3A_409 : vector<16xf32>, vector<16xi1> -> vector<16xf32>
      %reduce_max3A_411 = vector.extract %reduce_max3A_410[15] : f32 from vector<16xf32>
      %sub3A = vector.broadcast %reduce_max3A_411 : f32 to vector<16xf32>
      %sub3A_412 = arith.subf %select_n3A_408, %sub3A : vector<16xf32>
      %exp3A = math.exp %sub3A_412 : vector<16xf32>
      %reduce_sum3A_413 = arith.constant true
      %reduce_sum3A_414 = vector.broadcast %reduce_sum3A_413 : i1 to vector<16xi1>
      %reduce_sum3A_415 = tpu.scan <sum>, %exp3A masked %reduce_sum3A_414 : vector<16xf32>, vector<16xi1> -> vector<16xf32>
      %reduce_sum3A_416 = vector.extract %reduce_sum3A_415[15] : f32 from vector<16xf32>
      %div3A = vector.broadcast %reduce_sum3A_416 : f32 to vector<16xf32>
      %div3A_417 = arith.divf %exp3A, %div3A : vector<16xf32>
      %swap3A = arith.constant 0 : i32
      %swap3A_418 = arith.index_cast %swap3A : i32 to index
      %swap3A_419 = arith.constant 0 : index
      %swap3A_420 = tpu.vector_load %arg7[%swap3A_418, %swap3A_419] {strides = array<i32>} : memref<4x16xf32, #tpu.memory_space<vmem>>, vector<16xf32>,
      tpu.vector_store %arg7[%swap3A_418, %swap3A_419], %div3A_417 {strides = array<i32>} : memref<4x16xf32, #tpu.memory_space<vmem>>, vector<16xf32>,
      %get3A_421 = arith.constant 1 : i32
      %get3A_422 = arith.index_cast %get3A_421 : i32 to index
      %get3A_423 = arith.constant 0 : index
      %get3A_424 = tpu.vector_load %arg5[%get3A_422, %get3A_423] {strides = array<i32>} : memref<4x16xf32, #tpu.memory_space<vmem>>, vector<16xf32>,
      %get3A_425 = arith.constant 1 : i32
      %get3A_426 = arith.index_cast %get3A_425 : i32 to index
      %get3A_427 = arith.constant 0 : index
      %get3A_428 = tpu.vector_load %arg6[%get3A_426, %get3A_427] {strides = array<i32>} : memref<4x16xi32, #tpu.memory_space<vmem>>, vector<16xi32>,
      %broadcast_in_dim3A_429 = arith.constant 0 : i32
      %broadcast_in_dim3A_430 = vector.broadcast %broadcast_in_dim3A_429 : i32 to vector<16xi32>
      %eq3A_431 = arith.constant 0 : i32
      %eq3A_432 = vector.broadcast %eq3A_431 : i32 to vector<16xi32>
      %eq3A_433 = arith.cmpi eq, %iota3A, %eq3A_432 : vector<16xi32>
      %jit3A_434 = arith.constant 0.000000e+00 : f32
      %broadcast_in_dim3A_435 = vector.broadcast %jit3A_434 : f32 to vector<16xf32>
      %select_n3A_436 = arith.select %eq3A_433, %get3A_424, %broadcast_in_dim3A_435 : vector<16xi1>, vector<16xf32>
      %reduce_sum3A_437 = arith.constant true
      %reduce_sum3A_438 = vector.broadcast %reduce_sum3A_437 : i1 to vector<16xi1>
      %reduce_sum3A_439 = tpu.scan <sum>, %select_n3A_436 masked %reduce_sum3A_438 : vector<16xf32>, vector<16xi1> -> vector<16xf32>
      %reduce_sum3A_440 = vector.extract %reduce_sum3A_439[15] : f32 from vector<16xf32>
      %gt3A_441 = vector.broadcast %reduce_sum3A_440 : f32 to vector<16xf32>
      %gt3A_442 = arith.cmpf ogt, %gt3A_441, %get3A_424 : vector<16xf32>
      %eq3A_443 = vector.broadcast %reduce_sum3A_440 : f32 to vector<16xf32>
      %eq3A_444 = arith.cmpf oeq, %eq3A_443, %get3A_424 : vector<16xf32>
      %gt3A_445 = arith.constant 0 : i32
      %gt3A_446 = vector.broadcast %gt3A_445 : i32 to vector<16xi32>
      %gt3A_447 = arith.cmpi sgt, %iota3A, %gt3A_446 : vector<16xi32>
      %and3A_448 = arith.andi %eq3A_444, %gt3A_447 : vector<16xi1>
      %or3A_449 = arith.ori %gt3A_442, %and3A_448 : vector<16xi1>
      %jit3A_450 = arith.constant 1 : i32
      %jit3A_451 = arith.constant 0 : i32
      %broadcast_in_dim3A_452 = vector.broadcast %jit3A_450 : i32 to vector<16xi32>
      %broadcast_in_dim3A_453 = vector.broadcast %jit3A_451 : i32 to vector<16xi32>
      %select_n3A_454 = arith.select %or3A_449, %broadcast_in_dim3A_452, %broadcast_in_dim3A_453 : vector<16xi1>, vector<16xi32>
      %add3A_455 = arith.addi %broadcast_in_dim3A_430, %select_n3A_454 : vector<16xi32>
      %eq3A_456 = arith.constant 1 : i32
      %eq3A_457 = vector.broadcast %eq3A_456 : i32 to vector<16xi32>
      %eq3A_458 = arith.cmpi eq, %iota3A, %eq3A_457 : vector<16xi32>
      %jit3A_459 = arith.constant 0.000000e+00 : f32
      %broadcast_in_dim3A_460 = vector.broadcast %jit3A_459 : f32 to vector<16xf32>
      %select_n3A_461 = arith.select %eq3A_458, %get3A_424, %broadcast_in_dim3A_460 : vector<16xi1>, vector<16xf32>
      %reduce_sum3A_462 = arith.constant true
      %reduce_sum3A_463 = vector.broadcast %reduce_sum3A_462 : i1 to vector<16xi1>
      %reduce_sum3A_464 = tpu.scan <sum>, %select_n3A_461 masked %reduce_sum3A_463 : vector<16xf32>, vector<16xi1> -> vector<16xf32>
      %reduce_sum3A_465 = vector.extract %reduce_sum3A_464[15] : f32 from vector<16xf32>
      %gt3A_466 = vector.broadcast %reduce_sum3A_465 : f32 to vector<16xf32>
      %gt3A_467 = arith.cmpf ogt, %gt3A_466, %get3A_424 : vector<16xf32>
      %eq3A_468 = vector.broadcast %reduce_sum3A_465 : f32 to vector<16xf32>
      %eq3A_469 = arith.cmpf oeq, %eq3A_468, %get3A_424 : vector<16xf32>
      %gt3A_470 = arith.constant 1 : i32
      %gt3A_471 = vector.broadcast %gt3A_470 : i32 to vector<16xi32>
      %gt3A_472 = arith.cmpi sgt, %iota3A, %gt3A_471 : vector<16xi32>
      %and3A_473 = arith.andi %eq3A_469, %gt3A_472 : vector<16xi1>
      %or3A_474 = arith.ori %gt3A_467, %and3A_473 : vector<16xi1>
      %jit3A_475 = arith.constant 1 : i32
      %jit3A_476 = arith.constant 0 : i32
      %broadcast_in_dim3A_477 = vector.broadcast %jit3A_475 : i32 to vector<16xi32>
      %broadcast_in_dim3A_478 = vector.broadcast %jit3A_476 : i32 to vector<16xi32>
      %select_n3A_479 = arith.select %or3A_474, %broadcast_in_dim3A_477, %broadcast_in_dim3A_478 : vector<16xi1>, vector<16xi32>
      %add3A_480 = arith.addi %add3A_455, %select_n3A_479 : vector<16xi32>
      %eq3A_481 = arith.constant 2 : i32
      %eq3A_482 = vector.broadcast %eq3A_481 : i32 to vector<16xi32>
      %eq3A_483 = arith.cmpi eq, %iota3A, %eq3A_482 : vector<16xi32>
      %jit3A_484 = arith.constant 0.000000e+00 : f32
      %broadcast_in_dim3A_485 = vector.broadcast %jit3A_484 : f32 to vector<16xf32>
      %select_n3A_486 = arith.select %eq3A_483, %get3A_424, %broadcast_in_dim3A_485 : vector<16xi1>, vector<16xf32>
      %reduce_sum3A_487 = arith.constant true
      %reduce_sum3A_488 = vector.broadcast %reduce_sum3A_487 : i1 to vector<16xi1>
      %reduce_sum3A_489 = tpu.scan <sum>, %select_n3A_486 masked %reduce_sum3A_488 : vector<16xf32>, vector<16xi1> -> vector<16xf32>
      %reduce_sum3A_490 = vector.extract %reduce_sum3A_489[15] : f32 from vector<16xf32>
      %gt3A_491 = vector.broadcast %reduce_sum3A_490 : f32 to vector<16xf32>
      %gt3A_492 = arith.cmpf ogt, %gt3A_491, %get3A_424 : vector<16xf32>
      %eq3A_493 = vector.broadcast %reduce_sum3A_490 : f32 to vector<16xf32>
      %eq3A_494 = arith.cmpf oeq, %eq3A_493, %get3A_424 : vector<16xf32>
      %gt3A_495 = arith.constant 2 : i32
      %gt3A_496 = vector.broadcast %gt3A_495 : i32 to vector<16xi32>
      %gt3A_497 = arith.cmpi sgt, %iota3A, %gt3A_496 : vector<16xi32>
      %and3A_498 = arith.andi %eq3A_494, %gt3A_497 : vector<16xi1>
      %or3A_499 = arith.ori %gt3A_492, %and3A_498 : vector<16xi1>
      %jit3A_500 = arith.constant 1 : i32
      %jit3A_501 = arith.constant 0 : i32
      %broadcast_in_dim3A_502 = vector.broadcast %jit3A_500 : i32 to vector<16xi32>
      %broadcast_in_dim3A_503 = vector.broadcast %jit3A_501 : i32 to vector<16xi32>
      %select_n3A_504 = arith.select %or3A_499, %broadcast_in_dim3A_502, %broadcast_in_dim3A_503 : vector<16xi1>, vector<16xi32>
      %add3A_505 = arith.addi %add3A_480, %select_n3A_504 : vector<16xi32>
      %eq3A_506 = arith.constant 3 : i32
      %eq3A_507 = vector.broadcast %eq3A_506 : i32 to vector<16xi32>
      %eq3A_508 = arith.cmpi eq, %iota3A, %eq3A_507 : vector<16xi32>
      %jit3A_509 = arith.constant 0.000000e+00 : f32
      %broadcast_in_dim3A_510 = vector.broadcast %jit3A_509 : f32 to vector<16xf32>
      %select_n3A_511 = arith.select %eq3A_508, %get3A_424, %broadcast_in_dim3A_510 : vector<16xi1>, vector<16xf32>
      %reduce_sum3A_512 = arith.constant true
      %reduce_sum3A_513 = vector.broadcast %reduce_sum3A_512 : i1 to vector<16xi1>
      %reduce_sum3A_514 = tpu.scan <sum>, %select_n3A_511 masked %reduce_sum3A_513 : vector<16xf32>, vector<16xi1> -> vector<16xf32>
      %reduce_sum3A_515 = vector.extract %reduce_sum3A_514[15] : f32 from vector<16xf32>
      %gt3A_516 = vector.broadcast %reduce_sum3A_515 : f32 to vector<16xf32>
      %gt3A_517 = arith.cmpf ogt, %gt3A_516, %get3A_424 : vector<16xf32>
      %eq3A_518 = vector.broadcast %reduce_sum3A_515 : f32 to vector<16xf32>
      %eq3A_519 = arith.cmpf oeq, %eq3A_518, %get3A_424 : vector<16xf32>
      %gt3A_520 = arith.constant 3 : i32
      %gt3A_521 = vector.broadcast %gt3A_520 : i32 to vector<16xi32>
      %gt3A_522 = arith.cmpi sgt, %iota3A, %gt3A_521 : vector<16xi32>
      %and3A_523 = arith.andi %eq3A_519, %gt3A_522 : vector<16xi1>
      %or3A_524 = arith.ori %gt3A_517, %and3A_523 : vector<16xi1>
      %jit3A_525 = arith.constant 1 : i32
      %jit3A_526 = arith.constant 0 : i32
      %broadcast_in_dim3A_527 = vector.broadcast %jit3A_525 : i32 to vector<16xi32>
      %broadcast_in_dim3A_528 = vector.broadcast %jit3A_526 : i32 to vector<16xi32>
      %select_n3A_529 = arith.select %or3A_524, %broadcast_in_dim3A_527, %broadcast_in_dim3A_528 : vector<16xi1>, vector<16xi32>
      %add3A_530 = arith.addi %add3A_505, %select_n3A_529 : vector<16xi32>
      %eq3A_531 = arith.constant 4 : i32
      %eq3A_532 = vector.broadcast %eq3A_531 : i32 to vector<16xi32>
      %eq3A_533 = arith.cmpi eq, %iota3A, %eq3A_532 : vector<16xi32>
      %jit3A_534 = arith.constant 0.000000e+00 : f32
      %broadcast_in_dim3A_535 = vector.broadcast %jit3A_534 : f32 to vector<16xf32>
      %select_n3A_536 = arith.select %eq3A_533, %get3A_424, %broadcast_in_dim3A_535 : vector<16xi1>, vector<16xf32>
      %reduce_sum3A_537 = arith.constant true
      %reduce_sum3A_538 = vector.broadcast %reduce_sum3A_537 : i1 to vector<16xi1>
      %reduce_sum3A_539 = tpu.scan <sum>, %select_n3A_536 masked %reduce_sum3A_538 : vector<16xf32>, vector<16xi1> -> vector<16xf32>
      %reduce_sum3A_540 = vector.extract %reduce_sum3A_539[15] : f32 from vector<16xf32>
      %gt3A_541 = vector.broadcast %reduce_sum3A_540 : f32 to vector<16xf32>
      %gt3A_542 = arith.cmpf ogt, %gt3A_541, %get3A_424 : vector<16xf32>
      %eq3A_543 = vector.broadcast %reduce_sum3A_540 : f32 to vector<16xf32>
      %eq3A_544 = arith.cmpf oeq, %eq3A_543, %get3A_424 : vector<16xf32>
      %gt3A_545 = arith.constant 4 : i32
      %gt3A_546 = vector.broadcast %gt3A_545 : i32 to vector<16xi32>
      %gt3A_547 = arith.cmpi sgt, %iota3A, %gt3A_546 : vector<16xi32>
      %and3A_548 = arith.andi %eq3A_544, %gt3A_547 : vector<16xi1>
      %or3A_549 = arith.ori %gt3A_542, %and3A_548 : vector<16xi1>
      %jit3A_550 = arith.constant 1 : i32
      %jit3A_551 = arith.constant 0 : i32
      %broadcast_in_dim3A_552 = vector.broadcast %jit3A_550 : i32 to vector<16xi32>
      %broadcast_in_dim3A_553 = vector.broadcast %jit3A_551 : i32 to vector<16xi32>
      %select_n3A_554 = arith.select %or3A_549, %broadcast_in_dim3A_552, %broadcast_in_dim3A_553 : vector<16xi1>, vector<16xi32>
      %add3A_555 = arith.addi %add3A_530, %select_n3A_554 : vector<16xi32>
      %eq3A_556 = arith.constant 5 : i32
      %eq3A_557 = vector.broadcast %eq3A_556 : i32 to vector<16xi32>
      %eq3A_558 = arith.cmpi eq, %iota3A, %eq3A_557 : vector<16xi32>
      %jit3A_559 = arith.constant 0.000000e+00 : f32
      %broadcast_in_dim3A_560 = vector.broadcast %jit3A_559 : f32 to vector<16xf32>
      %select_n3A_561 = arith.select %eq3A_558, %get3A_424, %broadcast_in_dim3A_560 : vector<16xi1>, vector<16xf32>
      %reduce_sum3A_562 = arith.constant true
      %reduce_sum3A_563 = vector.broadcast %reduce_sum3A_562 : i1 to vector<16xi1>
      %reduce_sum3A_564 = tpu.scan <sum>, %select_n3A_561 masked %reduce_sum3A_563 : vector<16xf32>, vector<16xi1> -> vector<16xf32>
      %reduce_sum3A_565 = vector.extract %reduce_sum3A_564[15] : f32 from vector<16xf32>
      %gt3A_566 = vector.broadcast %reduce_sum3A_565 : f32 to vector<16xf32>
      %gt3A_567 = arith.cmpf ogt, %gt3A_566, %get3A_424 : vector<16xf32>
      %eq3A_568 = vector.broadcast %reduce_sum3A_565 : f32 to vector<16xf32>
      %eq3A_569 = arith.cmpf oeq, %eq3A_568, %get3A_424 : vector<16xf32>
      %gt3A_570 = arith.constant 5 : i32
      %gt3A_571 = vector.broadcast %gt3A_570 : i32 to vector<16xi32>
      %gt3A_572 = arith.cmpi sgt, %iota3A, %gt3A_571 : vector<16xi32>
      %and3A_573 = arith.andi %eq3A_569, %gt3A_572 : vector<16xi1>
      %or3A_574 = arith.ori %gt3A_567, %and3A_573 : vector<16xi1>
      %jit3A_575 = arith.constant 1 : i32
      %jit3A_576 = arith.constant 0 : i32
      %broadcast_in_dim3A_577 = vector.broadcast %jit3A_575 : i32 to vector<16xi32>
      %broadcast_in_dim3A_578 = vector.broadcast %jit3A_576 : i32 to vector<16xi32>
      %select_n3A_579 = arith.select %or3A_574, %broadcast_in_dim3A_577, %broadcast_in_dim3A_578 : vector<16xi1>, vector<16xi32>
      %add3A_580 = arith.addi %add3A_555, %select_n3A_579 : vector<16xi32>
      %eq3A_581 = arith.constant 6 : i32
      %eq3A_582 = vector.broadcast %eq3A_581 : i32 to vector<16xi32>
      %eq3A_583 = arith.cmpi eq, %iota3A, %eq3A_582 : vector<16xi32>
      %jit3A_584 = arith.constant 0.000000e+00 : f32
      %broadcast_in_dim3A_585 = vector.broadcast %jit3A_584 : f32 to vector<16xf32>
      %select_n3A_586 = arith.select %eq3A_583, %get3A_424, %broadcast_in_dim3A_585 : vector<16xi1>, vector<16xf32>
      %reduce_sum3A_587 = arith.constant true
      %reduce_sum3A_588 = vector.broadcast %reduce_sum3A_587 : i1 to vector<16xi1>
      %reduce_sum3A_589 = tpu.scan <sum>, %select_n3A_586 masked %reduce_sum3A_588 : vector<16xf32>, vector<16xi1> -> vector<16xf32>
      %reduce_sum3A_590 = vector.extract %reduce_sum3A_589[15] : f32 from vector<16xf32>
      %gt3A_591 = vector.broadcast %reduce_sum3A_590 : f32 to vector<16xf32>
      %gt3A_592 = arith.cmpf ogt, %gt3A_591, %get3A_424 : vector<16xf32>
      %eq3A_593 = vector.broadcast %reduce_sum3A_590 : f32 to vector<16xf32>
      %eq3A_594 = arith.cmpf oeq, %eq3A_593, %get3A_424 : vector<16xf32>
      %gt3A_595 = arith.constant 6 : i32
      %gt3A_596 = vector.broadcast %gt3A_595 : i32 to vector<16xi32>
      %gt3A_597 = arith.cmpi sgt, %iota3A, %gt3A_596 : vector<16xi32>
      %and3A_598 = arith.andi %eq3A_594, %gt3A_597 : vector<16xi1>
      %or3A_599 = arith.ori %gt3A_592, %and3A_598 : vector<16xi1>
      %jit3A_600 = arith.constant 1 : i32
      %jit3A_601 = arith.constant 0 : i32
      %broadcast_in_dim3A_602 = vector.broadcast %jit3A_600 : i32 to vector<16xi32>
      %broadcast_in_dim3A_603 = vector.broadcast %jit3A_601 : i32 to vector<16xi32>
      %select_n3A_604 = arith.select %or3A_599, %broadcast_in_dim3A_602, %broadcast_in_dim3A_603 : vector<16xi1>, vector<16xi32>
      %add3A_605 = arith.addi %add3A_580, %select_n3A_604 : vector<16xi32>
      %eq3A_606 = arith.constant 7 : i32
      %eq3A_607 = vector.broadcast %eq3A_606 : i32 to vector<16xi32>
      %eq3A_608 = arith.cmpi eq, %iota3A, %eq3A_607 : vector<16xi32>
      %jit3A_609 = arith.constant 0.000000e+00 : f32
      %broadcast_in_dim3A_610 = vector.broadcast %jit3A_609 : f32 to vector<16xf32>
      %select_n3A_611 = arith.select %eq3A_608, %get3A_424, %broadcast_in_dim3A_610 : vector<16xi1>, vector<16xf32>
      %reduce_sum3A_612 = arith.constant true
      %reduce_sum3A_613 = vector.broadcast %reduce_sum3A_612 : i1 to vector<16xi1>
      %reduce_sum3A_614 = tpu.scan <sum>, %select_n3A_611 masked %reduce_sum3A_613 : vector<16xf32>, vector<16xi1> -> vector<16xf32>
      %reduce_sum3A_615 = vector.extract %reduce_sum3A_614[15] : f32 from vector<16xf32>
      %gt3A_616 = vector.broadcast %reduce_sum3A_615 : f32 to vector<16xf32>
      %gt3A_617 = arith.cmpf ogt, %gt3A_616, %get3A_424 : vector<16xf32>
      %eq3A_618 = vector.broadcast %reduce_sum3A_615 : f32 to vector<16xf32>
      %eq3A_619 = arith.cmpf oeq, %eq3A_618, %get3A_424 : vector<16xf32>
      %gt3A_620 = arith.constant 7 : i32
      %gt3A_621 = vector.broadcast %gt3A_620 : i32 to vector<16xi32>
      %gt3A_622 = arith.cmpi sgt, %iota3A, %gt3A_621 : vector<16xi32>
      %and3A_623 = arith.andi %eq3A_619, %gt3A_622 : vector<16xi1>
      %or3A_624 = arith.ori %gt3A_617, %and3A_623 : vector<16xi1>
      %jit3A_625 = arith.constant 1 : i32
      %jit3A_626 = arith.constant 0 : i32
      %broadcast_in_dim3A_627 = vector.broadcast %jit3A_625 : i32 to vector<16xi32>
      %broadcast_in_dim3A_628 = vector.broadcast %jit3A_626 : i32 to vector<16xi32>
      %select_n3A_629 = arith.select %or3A_624, %broadcast_in_dim3A_627, %broadcast_in_dim3A_628 : vector<16xi1>, vector<16xi32>
      %add3A_630 = arith.addi %add3A_605, %select_n3A_629 : vector<16xi32>
      %eq3A_631 = arith.constant 8 : i32
      %eq3A_632 = vector.broadcast %eq3A_631 : i32 to vector<16xi32>
      %eq3A_633 = arith.cmpi eq, %iota3A, %eq3A_632 : vector<16xi32>
      %jit3A_634 = arith.constant 0.000000e+00 : f32
      %broadcast_in_dim3A_635 = vector.broadcast %jit3A_634 : f32 to vector<16xf32>
      %select_n3A_636 = arith.select %eq3A_633, %get3A_424, %broadcast_in_dim3A_635 : vector<16xi1>, vector<16xf32>
      %reduce_sum3A_637 = arith.constant true
      %reduce_sum3A_638 = vector.broadcast %reduce_sum3A_637 : i1 to vector<16xi1>
      %reduce_sum3A_639 = tpu.scan <sum>, %select_n3A_636 masked %reduce_sum3A_638 : vector<16xf32>, vector<16xi1> -> vector<16xf32>
      %reduce_sum3A_640 = vector.extract %reduce_sum3A_639[15] : f32 from vector<16xf32>
      %gt3A_641 = vector.broadcast %reduce_sum3A_640 : f32 to vector<16xf32>
      %gt3A_642 = arith.cmpf ogt, %gt3A_641, %get3A_424 : vector<16xf32>
      %eq3A_643 = vector.broadcast %reduce_sum3A_640 : f32 to vector<16xf32>
      %eq3A_644 = arith.cmpf oeq, %eq3A_643, %get3A_424 : vector<16xf32>
      %gt3A_645 = arith.constant 8 : i32
      %gt3A_646 = vector.broadcast %gt3A_645 : i32 to vector<16xi32>
      %gt3A_647 = arith.cmpi sgt, %iota3A, %gt3A_646 : vector<16xi32>
      %and3A_648 = arith.andi %eq3A_644, %gt3A_647 : vector<16xi1>
      %or3A_649 = arith.ori %gt3A_642, %and3A_648 : vector<16xi1>
      %jit3A_650 = arith.constant 1 : i32
      %jit3A_651 = arith.constant 0 : i32
      %broadcast_in_dim3A_652 = vector.broadcast %jit3A_650 : i32 to vector<16xi32>
      %broadcast_in_dim3A_653 = vector.broadcast %jit3A_651 : i32 to vector<16xi32>
      %select_n3A_654 = arith.select %or3A_649, %broadcast_in_dim3A_652, %broadcast_in_dim3A_653 : vector<16xi1>, vector<16xi32>
      %add3A_655 = arith.addi %add3A_630, %select_n3A_654 : vector<16xi32>
      %eq3A_656 = arith.constant 9 : i32
      %eq3A_657 = vector.broadcast %eq3A_656 : i32 to vector<16xi32>
      %eq3A_658 = arith.cmpi eq, %iota3A, %eq3A_657 : vector<16xi32>
      %jit3A_659 = arith.constant 0.000000e+00 : f32
      %broadcast_in_dim3A_660 = vector.broadcast %jit3A_659 : f32 to vector<16xf32>
      %select_n3A_661 = arith.select %eq3A_658, %get3A_424, %broadcast_in_dim3A_660 : vector<16xi1>, vector<16xf32>
      %reduce_sum3A_662 = arith.constant true
      %reduce_sum3A_663 = vector.broadcast %reduce_sum3A_662 : i1 to vector<16xi1>
      %reduce_sum3A_664 = tpu.scan <sum>, %select_n3A_661 masked %reduce_sum3A_663 : vector<16xf32>, vector<16xi1> -> vector<16xf32>
      %reduce_sum3A_665 = vector.extract %reduce_sum3A_664[15] : f32 from vector<16xf32>
      %gt3A_666 = vector.broadcast %reduce_sum3A_665 : f32 to vector<16xf32>
      %gt3A_667 = arith.cmpf ogt, %gt3A_666, %get3A_424 : vector<16xf32>
      %eq3A_668 = vector.broadcast %reduce_sum3A_665 : f32 to vector<16xf32>
      %eq3A_669 = arith.cmpf oeq, %eq3A_668, %get3A_424 : vector<16xf32>
      %gt3A_670 = arith.constant 9 : i32
      %gt3A_671 = vector.broadcast %gt3A_670 : i32 to vector<16xi32>
      %gt3A_672 = arith.cmpi sgt, %iota3A, %gt3A_671 : vector<16xi32>
      %and3A_673 = arith.andi %eq3A_669, %gt3A_672 : vector<16xi1>
      %or3A_674 = arith.ori %gt3A_667, %and3A_673 : vector<16xi1>
      %jit3A_675 = arith.constant 1 : i32
      %jit3A_676 = arith.constant 0 : i32
      %broadcast_in_dim3A_677 = vector.broadcast %jit3A_675 : i32 to vector<16xi32>
      %broadcast_in_dim3A_678 = vector.broadcast %jit3A_676 : i32 to vector<16xi32>
      %select_n3A_679 = arith.select %or3A_674, %broadcast_in_dim3A_677, %broadcast_in_dim3A_678 : vector<16xi1>, vector<16xi32>
      %add3A_680 = arith.addi %add3A_655, %select_n3A_679 : vector<16xi32>
      %eq3A_681 = arith.constant 10 : i32
      %eq3A_682 = vector.broadcast %eq3A_681 : i32 to vector<16xi32>
      %eq3A_683 = arith.cmpi eq, %iota3A, %eq3A_682 : vector<16xi32>
      %jit3A_684 = arith.constant 0.000000e+00 : f32
      %broadcast_in_dim3A_685 = vector.broadcast %jit3A_684 : f32 to vector<16xf32>
      %select_n3A_686 = arith.select %eq3A_683, %get3A_424, %broadcast_in_dim3A_685 : vector<16xi1>, vector<16xf32>
      %reduce_sum3A_687 = arith.constant true
      %reduce_sum3A_688 = vector.broadcast %reduce_sum3A_687 : i1 to vector<16xi1>
      %reduce_sum3A_689 = tpu.scan <sum>, %select_n3A_686 masked %reduce_sum3A_688 : vector<16xf32>, vector<16xi1> -> vector<16xf32>
      %reduce_sum3A_690 = vector.extract %reduce_sum3A_689[15] : f32 from vector<16xf32>
      %gt3A_691 = vector.broadcast %reduce_sum3A_690 : f32 to vector<16xf32>
      %gt3A_692 = arith.cmpf ogt, %gt3A_691, %get3A_424 : vector<16xf32>
      %eq3A_693 = vector.broadcast %reduce_sum3A_690 : f32 to vector<16xf32>
      %eq3A_694 = arith.cmpf oeq, %eq3A_693, %get3A_424 : vector<16xf32>
      %gt3A_695 = arith.constant 10 : i32
      %gt3A_696 = vector.broadcast %gt3A_695 : i32 to vector<16xi32>
      %gt3A_697 = arith.cmpi sgt, %iota3A, %gt3A_696 : vector<16xi32>
      %and3A_698 = arith.andi %eq3A_694, %gt3A_697 : vector<16xi1>
      %or3A_699 = arith.ori %gt3A_692, %and3A_698 : vector<16xi1>
      %jit3A_700 = arith.constant 1 : i32
      %jit3A_701 = arith.constant 0 : i32
      %broadcast_in_dim3A_702 = vector.broadcast %jit3A_700 : i32 to vector<16xi32>
      %broadcast_in_dim3A_703 = vector.broadcast %jit3A_701 : i32 to vector<16xi32>
      %select_n3A_704 = arith.select %or3A_699, %broadcast_in_dim3A_702, %broadcast_in_dim3A_703 : vector<16xi1>, vector<16xi32>
      %add3A_705 = arith.addi %add3A_680, %select_n3A_704 : vector<16xi32>
      %eq3A_706 = arith.constant 11 : i32
      %eq3A_707 = vector.broadcast %eq3A_706 : i32 to vector<16xi32>
      %eq3A_708 = arith.cmpi eq, %iota3A, %eq3A_707 : vector<16xi32>
      %jit3A_709 = arith.constant 0.000000e+00 : f32
      %broadcast_in_dim3A_710 = vector.broadcast %jit3A_709 : f32 to vector<16xf32>
      %select_n3A_711 = arith.select %eq3A_708, %get3A_424, %broadcast_in_dim3A_710 : vector<16xi1>, vector<16xf32>
      %reduce_sum3A_712 = arith.constant true
      %reduce_sum3A_713 = vector.broadcast %reduce_sum3A_712 : i1 to vector<16xi1>
      %reduce_sum3A_714 = tpu.scan <sum>, %select_n3A_711 masked %reduce_sum3A_713 : vector<16xf32>, vector<16xi1> -> vector<16xf32>
      %reduce_sum3A_715 = vector.extract %reduce_sum3A_714[15] : f32 from vector<16xf32>
      %gt3A_716 = vector.broadcast %reduce_sum3A_715 : f32 to vector<16xf32>
      %gt3A_717 = arith.cmpf ogt, %gt3A_716, %get3A_424 : vector<16xf32>
      %eq3A_718 = vector.broadcast %reduce_sum3A_715 : f32 to vector<16xf32>
      %eq3A_719 = arith.cmpf oeq, %eq3A_718, %get3A_424 : vector<16xf32>
      %gt3A_720 = arith.constant 11 : i32
      %gt3A_721 = vector.broadcast %gt3A_720 : i32 to vector<16xi32>
      %gt3A_722 = arith.cmpi sgt, %iota3A, %gt3A_721 : vector<16xi32>
      %and3A_723 = arith.andi %eq3A_719, %gt3A_722 : vector<16xi1>
      %or3A_724 = arith.ori %gt3A_717, %and3A_723 : vector<16xi1>
      %jit3A_725 = arith.constant 1 : i32
      %jit3A_726 = arith.constant 0 : i32
      %broadcast_in_dim3A_727 = vector.broadcast %jit3A_725 : i32 to vector<16xi32>
      %broadcast_in_dim3A_728 = vector.broadcast %jit3A_726 : i32 to vector<16xi32>
      %select_n3A_729 = arith.select %or3A_724, %broadcast_in_dim3A_727, %broadcast_in_dim3A_728 : vector<16xi1>, vector<16xi32>
      %add3A_730 = arith.addi %add3A_705, %select_n3A_729 : vector<16xi32>
      %eq3A_731 = arith.constant 12 : i32
      %eq3A_732 = vector.broadcast %eq3A_731 : i32 to vector<16xi32>
      %eq3A_733 = arith.cmpi eq, %iota3A, %eq3A_732 : vector<16xi32>
      %jit3A_734 = arith.constant 0.000000e+00 : f32
      %broadcast_in_dim3A_735 = vector.broadcast %jit3A_734 : f32 to vector<16xf32>
      %select_n3A_736 = arith.select %eq3A_733, %get3A_424, %broadcast_in_dim3A_735 : vector<16xi1>, vector<16xf32>
      %reduce_sum3A_737 = arith.constant true
      %reduce_sum3A_738 = vector.broadcast %reduce_sum3A_737 : i1 to vector<16xi1>
      %reduce_sum3A_739 = tpu.scan <sum>, %select_n3A_736 masked %reduce_sum3A_738 : vector<16xf32>, vector<16xi1> -> vector<16xf32>
      %reduce_sum3A_740 = vector.extract %reduce_sum3A_739[15] : f32 from vector<16xf32>
      %gt3A_741 = vector.broadcast %reduce_sum3A_740 : f32 to vector<16xf32>
      %gt3A_742 = arith.cmpf ogt, %gt3A_741, %get3A_424 : vector<16xf32>
      %eq3A_743 = vector.broadcast %reduce_sum3A_740 : f32 to vector<16xf32>
      %eq3A_744 = arith.cmpf oeq, %eq3A_743, %get3A_424 : vector<16xf32>
      %gt3A_745 = arith.constant 12 : i32
      %gt3A_746 = vector.broadcast %gt3A_745 : i32 to vector<16xi32>
      %gt3A_747 = arith.cmpi sgt, %iota3A, %gt3A_746 : vector<16xi32>
      %and3A_748 = arith.andi %eq3A_744, %gt3A_747 : vector<16xi1>
      %or3A_749 = arith.ori %gt3A_742, %and3A_748 : vector<16xi1>
      %jit3A_750 = arith.constant 1 : i32
      %jit3A_751 = arith.constant 0 : i32
      %broadcast_in_dim3A_752 = vector.broadcast %jit3A_750 : i32 to vector<16xi32>
      %broadcast_in_dim3A_753 = vector.broadcast %jit3A_751 : i32 to vector<16xi32>
      %select_n3A_754 = arith.select %or3A_749, %broadcast_in_dim3A_752, %broadcast_in_dim3A_753 : vector<16xi1>, vector<16xi32>
      %add3A_755 = arith.addi %add3A_730, %select_n3A_754 : vector<16xi32>
      %eq3A_756 = arith.constant 13 : i32
      %eq3A_757 = vector.broadcast %eq3A_756 : i32 to vector<16xi32>
      %eq3A_758 = arith.cmpi eq, %iota3A, %eq3A_757 : vector<16xi32>
      %jit3A_759 = arith.constant 0.000000e+00 : f32
      %broadcast_in_dim3A_760 = vector.broadcast %jit3A_759 : f32 to vector<16xf32>
      %select_n3A_761 = arith.select %eq3A_758, %get3A_424, %broadcast_in_dim3A_760 : vector<16xi1>, vector<16xf32>
      %reduce_sum3A_762 = arith.constant true
      %reduce_sum3A_763 = vector.broadcast %reduce_sum3A_762 : i1 to vector<16xi1>
      %reduce_sum3A_764 = tpu.scan <sum>, %select_n3A_761 masked %reduce_sum3A_763 : vector<16xf32>, vector<16xi1> -> vector<16xf32>
      %reduce_sum3A_765 = vector.extract %reduce_sum3A_764[15] : f32 from vector<16xf32>
      %gt3A_766 = vector.broadcast %reduce_sum3A_765 : f32 to vector<16xf32>
      %gt3A_767 = arith.cmpf ogt, %gt3A_766, %get3A_424 : vector<16xf32>
      %eq3A_768 = vector.broadcast %reduce_sum3A_765 : f32 to vector<16xf32>
      %eq3A_769 = arith.cmpf oeq, %eq3A_768, %get3A_424 : vector<16xf32>
      %gt3A_770 = arith.constant 13 : i32
      %gt3A_771 = vector.broadcast %gt3A_770 : i32 to vector<16xi32>
      %gt3A_772 = arith.cmpi sgt, %iota3A, %gt3A_771 : vector<16xi32>
      %and3A_773 = arith.andi %eq3A_769, %gt3A_772 : vector<16xi1>
      %or3A_774 = arith.ori %gt3A_767, %and3A_773 : vector<16xi1>
      %jit3A_775 = arith.constant 1 : i32
      %jit3A_776 = arith.constant 0 : i32
      %broadcast_in_dim3A_777 = vector.broadcast %jit3A_775 : i32 to vector<16xi32>
      %broadcast_in_dim3A_778 = vector.broadcast %jit3A_776 : i32 to vector<16xi32>
      %select_n3A_779 = arith.select %or3A_774, %broadcast_in_dim3A_777, %broadcast_in_dim3A_778 : vector<16xi1>, vector<16xi32>
      %add3A_780 = arith.addi %add3A_755, %select_n3A_779 : vector<16xi32>
      %eq3A_781 = arith.constant 14 : i32
      %eq3A_782 = vector.broadcast %eq3A_781 : i32 to vector<16xi32>
      %eq3A_783 = arith.cmpi eq, %iota3A, %eq3A_782 : vector<16xi32>
      %jit3A_784 = arith.constant 0.000000e+00 : f32
      %broadcast_in_dim3A_785 = vector.broadcast %jit3A_784 : f32 to vector<16xf32>
      %select_n3A_786 = arith.select %eq3A_783, %get3A_424, %broadcast_in_dim3A_785 : vector<16xi1>, vector<16xf32>
      %reduce_sum3A_787 = arith.constant true
      %reduce_sum3A_788 = vector.broadcast %reduce_sum3A_787 : i1 to vector<16xi1>
      %reduce_sum3A_789 = tpu.scan <sum>, %select_n3A_786 masked %reduce_sum3A_788 : vector<16xf32>, vector<16xi1> -> vector<16xf32>
      %reduce_sum3A_790 = vector.extract %reduce_sum3A_789[15] : f32 from vector<16xf32>
      %gt3A_791 = vector.broadcast %reduce_sum3A_790 : f32 to vector<16xf32>
      %gt3A_792 = arith.cmpf ogt, %gt3A_791, %get3A_424 : vector<16xf32>
      %eq3A_793 = vector.broadcast %reduce_sum3A_790 : f32 to vector<16xf32>
      %eq3A_794 = arith.cmpf oeq, %eq3A_793, %get3A_424 : vector<16xf32>
      %gt3A_795 = arith.constant 14 : i32
      %gt3A_796 = vector.broadcast %gt3A_795 : i32 to vector<16xi32>
      %gt3A_797 = arith.cmpi sgt, %iota3A, %gt3A_796 : vector<16xi32>
      %and3A_798 = arith.andi %eq3A_794, %gt3A_797 : vector<16xi1>
      %or3A_799 = arith.ori %gt3A_792, %and3A_798 : vector<16xi1>
      %jit3A_800 = arith.constant 1 : i32
      %jit3A_801 = arith.constant 0 : i32
      %broadcast_in_dim3A_802 = vector.broadcast %jit3A_800 : i32 to vector<16xi32>
      %broadcast_in_dim3A_803 = vector.broadcast %jit3A_801 : i32 to vector<16xi32>
      %select_n3A_804 = arith.select %or3A_799, %broadcast_in_dim3A_802, %broadcast_in_dim3A_803 : vector<16xi1>, vector<16xi32>
      %add3A_805 = arith.addi %add3A_780, %select_n3A_804 : vector<16xi32>
      %eq3A_806 = arith.constant 15 : i32
      %eq3A_807 = vector.broadcast %eq3A_806 : i32 to vector<16xi32>
      %eq3A_808 = arith.cmpi eq, %iota3A, %eq3A_807 : vector<16xi32>
      %jit3A_809 = arith.constant 0.000000e+00 : f32
      %broadcast_in_dim3A_810 = vector.broadcast %jit3A_809 : f32 to vector<16xf32>
      %select_n3A_811 = arith.select %eq3A_808, %get3A_424, %broadcast_in_dim3A_810 : vector<16xi1>, vector<16xf32>
      %reduce_sum3A_812 = arith.constant true
      %reduce_sum3A_813 = vector.broadcast %reduce_sum3A_812 : i1 to vector<16xi1>
      %reduce_sum3A_814 = tpu.scan <sum>, %select_n3A_811 masked %reduce_sum3A_813 : vector<16xf32>, vector<16xi1> -> vector<16xf32>
      %reduce_sum3A_815 = vector.extract %reduce_sum3A_814[15] : f32 from vector<16xf32>
      %gt3A_816 = vector.broadcast %reduce_sum3A_815 : f32 to vector<16xf32>
      %gt3A_817 = arith.cmpf ogt, %gt3A_816, %get3A_424 : vector<16xf32>
      %eq3A_818 = vector.broadcast %reduce_sum3A_815 : f32 to vector<16xf32>
      %eq3A_819 = arith.cmpf oeq, %eq3A_818, %get3A_424 : vector<16xf32>
      %gt3A_820 = arith.constant 15 : i32
      %gt3A_821 = vector.broadcast %gt3A_820 : i32 to vector<16xi32>
      %gt3A_822 = arith.cmpi sgt, %iota3A, %gt3A_821 : vector<16xi32>
      %and3A_823 = arith.andi %eq3A_819, %gt3A_822 : vector<16xi1>
      %or3A_824 = arith.ori %gt3A_817, %and3A_823 : vector<16xi1>
      %jit3A_825 = arith.constant 1 : i32
      %jit3A_826 = arith.constant 0 : i32
      %broadcast_in_dim3A_827 = vector.broadcast %jit3A_825 : i32 to vector<16xi32>
      %broadcast_in_dim3A_828 = vector.broadcast %jit3A_826 : i32 to vector<16xi32>
      %select_n3A_829 = arith.select %or3A_824, %broadcast_in_dim3A_827, %broadcast_in_dim3A_828 : vector<16xi1>, vector<16xi32>
      %add3A_830 = arith.addi %add3A_805, %select_n3A_829 : vector<16xi32>
      %lt3A_831 = arith.cmpi slt, %add3A_830, %get3A_428 : vector<16xi32>
      %jit3A_832 = arith.constant 0.000000e+00 : f32
      %broadcast_in_dim3A_833 = vector.broadcast %jit3A_832 : f32 to vector<16xf32>
      %select_n3A_834 = arith.select %lt3A_831, %get3A_424, %broadcast_in_dim3A_833 : vector<16xi1>, vector<16xf32>
      %reduce_max3A_835 = arith.constant true
      %reduce_max3A_836 = vector.broadcast %reduce_max3A_835 : i1 to vector<16xi1>
      %reduce_max3A_837 = tpu.scan <max>, %select_n3A_834 masked %reduce_max3A_836 : vector<16xf32>, vector<16xi1> -> vector<16xf32>
      %reduce_max3A_838 = vector.extract %reduce_max3A_837[15] : f32 from vector<16xf32>
      %sub3A_839 = vector.broadcast %reduce_max3A_838 : f32 to vector<16xf32>
      %sub3A_840 = arith.subf %select_n3A_834, %sub3A_839 : vector<16xf32>
      %exp3A_841 = math.exp %sub3A_840 : vector<16xf32>
      %reduce_sum3A_842 = arith.constant true
      %reduce_sum3A_843 = vector.broadcast %reduce_sum3A_842 : i1 to vector<16xi1>
      %reduce_sum3A_844 = tpu.scan <sum>, %exp3A_841 masked %reduce_sum3A_843 : vector<16xf32>, vector<16xi1> -> vector<16xf32>
      %reduce_sum3A_845 = vector.extract %reduce_sum3A_844[15] : f32 from vector<16xf32>
      %div3A_846 = vector.broadcast %reduce_sum3A_845 : f32 to vector<16xf32>
      %div3A_847 = arith.divf %exp3A_841, %div3A_846 : vector<16xf32>
      %swap3A_848 = arith.constant 1 : i32
      %swap3A_849 = arith.index_cast %swap3A_848 : i32 to index
      %swap3A_850 = arith.constant 0 : index
      %swap3A_851 = tpu.vector_load %arg7[%swap3A_849, %swap3A_850] {strides = array<i32>} : memref<4x16xf32, #tpu.memory_space<vmem>>, vector<16xf32>,
      tpu.vector_store %arg7[%swap3A_849, %swap3A_850], %div3A_847 {strides = array<i32>} : memref<4x16xf32, #tpu.memory_space<vmem>>, vector<16xf32>,
      %get3A_852 = arith.constant 2 : i32
      %get3A_853 = arith.index_cast %get3A_852 : i32 to index
      %get3A_854 = arith.constant 0 : index
      %get3A_855 = tpu.vector_load %arg5[%get3A_853, %get3A_854] {strides = array<i32>} : memref<4x16xf32, #tpu.memory_space<vmem>>, vector<16xf32>,
      %get3A_856 = arith.constant 2 : i32
      %get3A_857 = arith.index_cast %get3A_856 : i32 to index
      %get3A_858 = arith.constant 0 : index
      %get3A_859 = tpu.vector_load %arg6[%get3A_857, %get3A_858] {strides = array<i32>} : memref<4x16xi32, #tpu.memory_space<vmem>>, vector<16xi32>,
      %broadcast_in_dim3A_860 = arith.constant 0 : i32
      %broadcast_in_dim3A_861 = vector.broadcast %broadcast_in_dim3A_860 : i32 to vector<16xi32>
      %eq3A_862 = arith.constant 0 : i32
      %eq3A_863 = vector.broadcast %eq3A_862 : i32 to vector<16xi32>
      %eq3A_864 = arith.cmpi eq, %iota3A, %eq3A_863 : vector<16xi32>
      %jit3A_865 = arith.constant 0.000000e+00 : f32
      %broadcast_in_dim3A_866 = vector.broadcast %jit3A_865 : f32 to vector<16xf32>
      %select_n3A_867 = arith.select %eq3A_864, %get3A_855, %broadcast_in_dim3A_866 : vector<16xi1>, vector<16xf32>
      %reduce_sum3A_868 = arith.constant true
      %reduce_sum3A_869 = vector.broadcast %reduce_sum3A_868 : i1 to vector<16xi1>
      %reduce_sum3A_870 = tpu.scan <sum>, %select_n3A_867 masked %reduce_sum3A_869 : vector<16xf32>, vector<16xi1> -> vector<16xf32>
      %reduce_sum3A_871 = vector.extract %reduce_sum3A_870[15] : f32 from vector<16xf32>
      %gt3A_872 = vector.broadcast %reduce_sum3A_871 : f32 to vector<16xf32>
      %gt3A_873 = arith.cmpf ogt, %gt3A_872, %get3A_855 : vector<16xf32>
      %eq3A_874 = vector.broadcast %reduce_sum3A_871 : f32 to vector<16xf32>
      %eq3A_875 = arith.cmpf oeq, %eq3A_874, %get3A_855 : vector<16xf32>
      %gt3A_876 = arith.constant 0 : i32
      %gt3A_877 = vector.broadcast %gt3A_876 : i32 to vector<16xi32>
      %gt3A_878 = arith.cmpi sgt, %iota3A, %gt3A_877 : vector<16xi32>
      %and3A_879 = arith.andi %eq3A_875, %gt3A_878 : vector<16xi1>
      %or3A_880 = arith.ori %gt3A_873, %and3A_879 : vector<16xi1>
      %jit3A_881 = arith.constant 1 : i32
      %jit3A_882 = arith.constant 0 : i32
      %broadcast_in_dim3A_883 = vector.broadcast %jit3A_881 : i32 to vector<16xi32>
      %broadcast_in_dim3A_884 = vector.broadcast %jit3A_882 : i32 to vector<16xi32>
      %select_n3A_885 = arith.select %or3A_880, %broadcast_in_dim3A_883, %broadcast_in_dim3A_884 : vector<16xi1>, vector<16xi32>
      %add3A_886 = arith.addi %broadcast_in_dim3A_861, %select_n3A_885 : vector<16xi32>
      %eq3A_887 = arith.constant 1 : i32
      %eq3A_888 = vector.broadcast %eq3A_887 : i32 to vector<16xi32>
      %eq3A_889 = arith.cmpi eq, %iota3A, %eq3A_888 : vector<16xi32>
      %jit3A_890 = arith.constant 0.000000e+00 : f32
      %broadcast_in_dim3A_891 = vector.broadcast %jit3A_890 : f32 to vector<16xf32>
      %select_n3A_892 = arith.select %eq3A_889, %get3A_855, %broadcast_in_dim3A_891 : vector<16xi1>, vector<16xf32>
      %reduce_sum3A_893 = arith.constant true
      %reduce_sum3A_894 = vector.broadcast %reduce_sum3A_893 : i1 to vector<16xi1>
      %reduce_sum3A_895 = tpu.scan <sum>, %select_n3A_892 masked %reduce_sum3A_894 : vector<16xf32>, vector<16xi1> -> vector<16xf32>
      %reduce_sum3A_896 = vector.extract %reduce_sum3A_895[15] : f32 from vector<16xf32>
      %gt3A_897 = vector.broadcast %reduce_sum3A_896 : f32 to vector<16xf32>
      %gt3A_898 = arith.cmpf ogt, %gt3A_897, %get3A_855 : vector<16xf32>
      %eq3A_899 = vector.broadcast %reduce_sum3A_896 : f32 to vector<16xf32>
      %eq3A_900 = arith.cmpf oeq, %eq3A_899, %get3A_855 : vector<16xf32>
      %gt3A_901 = arith.constant 1 : i32
      %gt3A_902 = vector.broadcast %gt3A_901 : i32 to vector<16xi32>
      %gt3A_903 = arith.cmpi sgt, %iota3A, %gt3A_902 : vector<16xi32>
      %and3A_904 = arith.andi %eq3A_900, %gt3A_903 : vector<16xi1>
      %or3A_905 = arith.ori %gt3A_898, %and3A_904 : vector<16xi1>
      %jit3A_906 = arith.constant 1 : i32
      %jit3A_907 = arith.constant 0 : i32
      %broadcast_in_dim3A_908 = vector.broadcast %jit3A_906 : i32 to vector<16xi32>
      %broadcast_in_dim3A_909 = vector.broadcast %jit3A_907 : i32 to vector<16xi32>
      %select_n3A_910 = arith.select %or3A_905, %broadcast_in_dim3A_908, %broadcast_in_dim3A_909 : vector<16xi1>, vector<16xi32>
      %add3A_911 = arith.addi %add3A_886, %select_n3A_910 : vector<16xi32>
      %eq3A_912 = arith.constant 2 : i32
      %eq3A_913 = vector.broadcast %eq3A_912 : i32 to vector<16xi32>
      %eq3A_914 = arith.cmpi eq, %iota3A, %eq3A_913 : vector<16xi32>
      %jit3A_915 = arith.constant 0.000000e+00 : f32
      %broadcast_in_dim3A_916 = vector.broadcast %jit3A_915 : f32 to vector<16xf32>
      %select_n3A_917 = arith.select %eq3A_914, %get3A_855, %broadcast_in_dim3A_916 : vector<16xi1>, vector<16xf32>
      %reduce_sum3A_918 = arith.constant true
      %reduce_sum3A_919 = vector.broadcast %reduce_sum3A_918 : i1 to vector<16xi1>
      %reduce_sum3A_920 = tpu.scan <sum>, %select_n3A_917 masked %reduce_sum3A_919 : vector<16xf32>, vector<16xi1> -> vector<16xf32>
      %reduce_sum3A_921 = vector.extract %reduce_sum3A_920[15] : f32 from vector<16xf32>
      %gt3A_922 = vector.broadcast %reduce_sum3A_921 : f32 to vector<16xf32>
      %gt3A_923 = arith.cmpf ogt, %gt3A_922, %get3A_855 : vector<16xf32>
      %eq3A_924 = vector.broadcast %reduce_sum3A_921 : f32 to vector<16xf32>
      %eq3A_925 = arith.cmpf oeq, %eq3A_924, %get3A_855 : vector<16xf32>
      %gt3A_926 = arith.constant 2 : i32
      %gt3A_927 = vector.broadcast %gt3A_926 : i32 to vector<16xi32>
      %gt3A_928 = arith.cmpi sgt, %iota3A, %gt3A_927 : vector<16xi32>
      %and3A_929 = arith.andi %eq3A_925, %gt3A_928 : vector<16xi1>
      %or3A_930 = arith.ori %gt3A_923, %and3A_929 : vector<16xi1>
      %jit3A_931 = arith.constant 1 : i32
      %jit3A_932 = arith.constant 0 : i32
      %broadcast_in_dim3A_933 = vector.broadcast %jit3A_931 : i32 to vector<16xi32>
      %broadcast_in_dim3A_934 = vector.broadcast %jit3A_932 : i32 to vector<16xi32>
      %select_n3A_935 = arith.select %or3A_930, %broadcast_in_dim3A_933, %broadcast_in_dim3A_934 : vector<16xi1>, vector<16xi32>
      %add3A_936 = arith.addi %add3A_911, %select_n3A_935 : vector<16xi32>
      %eq3A_937 = arith.constant 3 : i32
      %eq3A_938 = vector.broadcast %eq3A_937 : i32 to vector<16xi32>
      %eq3A_939 = arith.cmpi eq, %iota3A, %eq3A_938 : vector<16xi32>
      %jit3A_940 = arith.constant 0.000000e+00 : f32
      %broadcast_in_dim3A_941 = vector.broadcast %jit3A_940 : f32 to vector<16xf32>
      %select_n3A_942 = arith.select %eq3A_939, %get3A_855, %broadcast_in_dim3A_941 : vector<16xi1>, vector<16xf32>
      %reduce_sum3A_943 = arith.constant true
      %reduce_sum3A_944 = vector.broadcast %reduce_sum3A_943 : i1 to vector<16xi1>
      %reduce_sum3A_945 = tpu.scan <sum>, %select_n3A_942 masked %reduce_sum3A_944 : vector<16xf32>, vector<16xi1> -> vector<16xf32>
      %reduce_sum3A_946 = vector.extract %reduce_sum3A_945[15] : f32 from vector<16xf32>
      %gt3A_947 = vector.broadcast %reduce_sum3A_946 : f32 to vector<16xf32>
      %gt3A_948 = arith.cmpf ogt, %gt3A_947, %get3A_855 : vector<16xf32>
      %eq3A_949 = vector.broadcast %reduce_sum3A_946 : f32 to vector<16xf32>
      %eq3A_950 = arith.cmpf oeq, %eq3A_949, %get3A_855 : vector<16xf32>
      %gt3A_951 = arith.constant 3 : i32
      %gt3A_952 = vector.broadcast %gt3A_951 : i32 to vector<16xi32>
      %gt3A_953 = arith.cmpi sgt, %iota3A, %gt3A_952 : vector<16xi32>
      %and3A_954 = arith.andi %eq3A_950, %gt3A_953 : vector<16xi1>
      %or3A_955 = arith.ori %gt3A_948, %and3A_954 : vector<16xi1>
      %jit3A_956 = arith.constant 1 : i32
      %jit3A_957 = arith.constant 0 : i32
      %broadcast_in_dim3A_958 = vector.broadcast %jit3A_956 : i32 to vector<16xi32>
      %broadcast_in_dim3A_959 = vector.broadcast %jit3A_957 : i32 to vector<16xi32>
      %select_n3A_960 = arith.select %or3A_955, %broadcast_in_dim3A_958, %broadcast_in_dim3A_959 : vector<16xi1>, vector<16xi32>
      %add3A_961 = arith.addi %add3A_936, %select_n3A_960 : vector<16xi32>
      %eq3A_962 = arith.constant 4 : i32
      %eq3A_963 = vector.broadcast %eq3A_962 : i32 to vector<16xi32>
      %eq3A_964 = arith.cmpi eq, %iota3A, %eq3A_963 : vector<16xi32>
      %jit3A_965 = arith.constant 0.000000e+00 : f32
      %broadcast_in_dim3A_966 = vector.broadcast %jit3A_965 : f32 to vector<16xf32>
      %select_n3A_967 = arith.select %eq3A_964, %get3A_855, %broadcast_in_dim3A_966 : vector<16xi1>, vector<16xf32>
      %reduce_sum3A_968 = arith.constant true
      %reduce_sum3A_969 = vector.broadcast %reduce_sum3A_968 : i1 to vector<16xi1>
      %reduce_sum3A_970 = tpu.scan <sum>, %select_n3A_967 masked %reduce_sum3A_969 : vector<16xf32>, vector<16xi1> -> vector<16xf32>
      %reduce_sum3A_971 = vector.extract %reduce_sum3A_970[15] : f32 from vector<16xf32>
      %gt3A_972 = vector.broadcast %reduce_sum3A_971 : f32 to vector<16xf32>
      %gt3A_973 = arith.cmpf ogt, %gt3A_972, %get3A_855 : vector<16xf32>
      %eq3A_974 = vector.broadcast %reduce_sum3A_971 : f32 to vector<16xf32>
      %eq3A_975 = arith.cmpf oeq, %eq3A_974, %get3A_855 : vector<16xf32>
      %gt3A_976 = arith.constant 4 : i32
      %gt3A_977 = vector.broadcast %gt3A_976 : i32 to vector<16xi32>
      %gt3A_978 = arith.cmpi sgt, %iota3A, %gt3A_977 : vector<16xi32>
      %and3A_979 = arith.andi %eq3A_975, %gt3A_978 : vector<16xi1>
      %or3A_980 = arith.ori %gt3A_973, %and3A_979 : vector<16xi1>
      %jit3A_981 = arith.constant 1 : i32
      %jit3A_982 = arith.constant 0 : i32
      %broadcast_in_dim3A_983 = vector.broadcast %jit3A_981 : i32 to vector<16xi32>
      %broadcast_in_dim3A_984 = vector.broadcast %jit3A_982 : i32 to vector<16xi32>
      %select_n3A_985 = arith.select %or3A_980, %broadcast_in_dim3A_983, %broadcast_in_dim3A_984 : vector<16xi1>, vector<16xi32>
      %add3A_986 = arith.addi %add3A_961, %select_n3A_985 : vector<16xi32>
      %eq3A_987 = arith.constant 5 : i32
      %eq3A_988 = vector.broadcast %eq3A_987 : i32 to vector<16xi32>
      %eq3A_989 = arith.cmpi eq, %iota3A, %eq3A_988 : vector<16xi32>
      %jit3A_990 = arith.constant 0.000000e+00 : f32
      %broadcast_in_dim3A_991 = vector.broadcast %jit3A_990 : f32 to vector<16xf32>
      %select_n3A_992 = arith.select %eq3A_989, %get3A_855, %broadcast_in_dim3A_991 : vector<16xi1>, vector<16xf32>
      %reduce_sum3A_993 = arith.constant true
      %reduce_sum3A_994 = vector.broadcast %reduce_sum3A_993 : i1 to vector<16xi1>
      %reduce_sum3A_995 = tpu.scan <sum>, %select_n3A_992 masked %reduce_sum3A_994 : vector<16xf32>, vector<16xi1> -> vector<16xf32>
      %reduce_sum3A_996 = vector.extract %reduce_sum3A_995[15] : f32 from vector<16xf32>
      %gt3A_997 = vector.broadcast %reduce_sum3A_996 : f32 to vector<16xf32>
      %gt3A_998 = arith.cmpf ogt, %gt3A_997, %get3A_855 : vector<16xf32>
      %eq3A_999 = vector.broadcast %reduce_sum3A_996 : f32 to vector<16xf32>
      %eq3A_1000 = arith.cmpf oeq, %eq3A_999, %get3A_855 : vector<16xf32>
      %gt3A_1001 = arith.constant 5 : i32
      %gt3A_1002 = vector.broadcast %gt3A_1001 : i32 to vector<16xi32>
      %gt3A_1003 = arith.cmpi sgt, %iota3A, %gt3A_1002 : vector<16xi32>
      %and3A_1004 = arith.andi %eq3A_1000, %gt3A_1003 : vector<16xi1>
      %or3A_1005 = arith.ori %gt3A_998, %and3A_1004 : vector<16xi1>
      %jit3A_1006 = arith.constant 1 : i32
      %jit3A_1007 = arith.constant 0 : i32
      %broadcast_in_dim3A_1008 = vector.broadcast %jit3A_1006 : i32 to vector<16xi32>
      %broadcast_in_dim3A_1009 = vector.broadcast %jit3A_1007 : i32 to vector<16xi32>
      %select_n3A_1010 = arith.select %or3A_1005, %broadcast_in_dim3A_1008, %broadcast_in_dim3A_1009 : vector<16xi1>, vector<16xi32>
      %add3A_1011 = arith.addi %add3A_986, %select_n3A_1010 : vector<16xi32>
      %eq3A_1012 = arith.constant 6 : i32
      %eq3A_1013 = vector.broadcast %eq3A_1012 : i32 to vector<16xi32>
      %eq3A_1014 = arith.cmpi eq, %iota3A, %eq3A_1013 : vector<16xi32>
      %jit3A_1015 = arith.constant 0.000000e+00 : f32
      %broadcast_in_dim3A_1016 = vector.broadcast %jit3A_1015 : f32 to vector<16xf32>
      %select_n3A_1017 = arith.select %eq3A_1014, %get3A_855, %broadcast_in_dim3A_1016 : vector<16xi1>, vector<16xf32>
      %reduce_sum3A_1018 = arith.constant true
      %reduce_sum3A_1019 = vector.broadcast %reduce_sum3A_1018 : i1 to vector<16xi1>
      %reduce_sum3A_1020 = tpu.scan <sum>, %select_n3A_1017 masked %reduce_sum3A_1019 : vector<16xf32>, vector<16xi1> -> vector<16xf32>
      %reduce_sum3A_1021 = vector.extract %reduce_sum3A_1020[15] : f32 from vector<16xf32>
      %gt3A_1022 = vector.broadcast %reduce_sum3A_1021 : f32 to vector<16xf32>
      %gt3A_1023 = arith.cmpf ogt, %gt3A_1022, %get3A_855 : vector<16xf32>
      %eq3A_1024 = vector.broadcast %reduce_sum3A_1021 : f32 to vector<16xf32>
      %eq3A_1025 = arith.cmpf oeq, %eq3A_1024, %get3A_855 : vector<16xf32>
      %gt3A_1026 = arith.constant 6 : i32
      %gt3A_1027 = vector.broadcast %gt3A_1026 : i32 to vector<16xi32>
      %gt3A_1028 = arith.cmpi sgt, %iota3A, %gt3A_1027 : vector<16xi32>
      %and3A_1029 = arith.andi %eq3A_1025, %gt3A_1028 : vector<16xi1>
      %or3A_1030 = arith.ori %gt3A_1023, %and3A_1029 : vector<16xi1>
      %jit3A_1031 = arith.constant 1 : i32
      %jit3A_1032 = arith.constant 0 : i32
      %broadcast_in_dim3A_1033 = vector.broadcast %jit3A_1031 : i32 to vector<16xi32>
      %broadcast_in_dim3A_1034 = vector.broadcast %jit3A_1032 : i32 to vector<16xi32>
      %select_n3A_1035 = arith.select %or3A_1030, %broadcast_in_dim3A_1033, %broadcast_in_dim3A_1034 : vector<16xi1>, vector<16xi32>
      %add3A_1036 = arith.addi %add3A_1011, %select_n3A_1035 : vector<16xi32>
      %eq3A_1037 = arith.constant 7 : i32
      %eq3A_1038 = vector.broadcast %eq3A_1037 : i32 to vector<16xi32>
      %eq3A_1039 = arith.cmpi eq, %iota3A, %eq3A_1038 : vector<16xi32>
      %jit3A_1040 = arith.constant 0.000000e+00 : f32
      %broadcast_in_dim3A_1041 = vector.broadcast %jit3A_1040 : f32 to vector<16xf32>
      %select_n3A_1042 = arith.select %eq3A_1039, %get3A_855, %broadcast_in_dim3A_1041 : vector<16xi1>, vector<16xf32>
      %reduce_sum3A_1043 = arith.constant true
      %reduce_sum3A_1044 = vector.broadcast %reduce_sum3A_1043 : i1 to vector<16xi1>
      %reduce_sum3A_1045 = tpu.scan <sum>, %select_n3A_1042 masked %reduce_sum3A_1044 : vector<16xf32>, vector<16xi1> -> vector<16xf32>
      %reduce_sum3A_1046 = vector.extract %reduce_sum3A_1045[15] : f32 from vector<16xf32>
      %gt3A_1047 = vector.broadcast %reduce_sum3A_1046 : f32 to vector<16xf32>
      %gt3A_1048 = arith.cmpf ogt, %gt3A_1047, %get3A_855 : vector<16xf32>
      %eq3A_1049 = vector.broadcast %reduce_sum3A_1046 : f32 to vector<16xf32>
      %eq3A_1050 = arith.cmpf oeq, %eq3A_1049, %get3A_855 : vector<16xf32>
      %gt3A_1051 = arith.constant 7 : i32
      %gt3A_1052 = vector.broadcast %gt3A_1051 : i32 to vector<16xi32>
      %gt3A_1053 = arith.cmpi sgt, %iota3A, %gt3A_1052 : vector<16xi32>
      %and3A_1054 = arith.andi %eq3A_1050, %gt3A_1053 : vector<16xi1>
      %or3A_1055 = arith.ori %gt3A_1048, %and3A_1054 : vector<16xi1>
      %jit3A_1056 = arith.constant 1 : i32
      %jit3A_1057 = arith.constant 0 : i32
      %broadcast_in_dim3A_1058 = vector.broadcast %jit3A_1056 : i32 to vector<16xi32>
      %broadcast_in_dim3A_1059 = vector.broadcast %jit3A_1057 : i32 to vector<16xi32>
      %select_n3A_1060 = arith.select %or3A_1055, %broadcast_in_dim3A_1058, %broadcast_in_dim3A_1059 : vector<16xi1>, vector<16xi32>
      %add3A_1061 = arith.addi %add3A_1036, %select_n3A_1060 : vector<16xi32>
      %eq3A_1062 = arith.constant 8 : i32
      %eq3A_1063 = vector.broadcast %eq3A_1062 : i32 to vector<16xi32>
      %eq3A_1064 = arith.cmpi eq, %iota3A, %eq3A_1063 : vector<16xi32>
      %jit3A_1065 = arith.constant 0.000000e+00 : f32
      %broadcast_in_dim3A_1066 = vector.broadcast %jit3A_1065 : f32 to vector<16xf32>
      %select_n3A_1067 = arith.select %eq3A_1064, %get3A_855, %broadcast_in_dim3A_1066 : vector<16xi1>, vector<16xf32>
      %reduce_sum3A_1068 = arith.constant true
      %reduce_sum3A_1069 = vector.broadcast %reduce_sum3A_1068 : i1 to vector<16xi1>
      %reduce_sum3A_1070 = tpu.scan <sum>, %select_n3A_1067 masked %reduce_sum3A_1069 : vector<16xf32>, vector<16xi1> -> vector<16xf32>
      %reduce_sum3A_1071 = vector.extract %reduce_sum3A_1070[15] : f32 from vector<16xf32>
      %gt3A_1072 = vector.broadcast %reduce_sum3A_1071 : f32 to vector<16xf32>
      %gt3A_1073 = arith.cmpf ogt, %gt3A_1072, %get3A_855 : vector<16xf32>
      %eq3A_1074 = vector.broadcast %reduce_sum3A_1071 : f32 to vector<16xf32>
      %eq3A_1075 = arith.cmpf oeq, %eq3A_1074, %get3A_855 : vector<16xf32>
      %gt3A_1076 = arith.constant 8 : i32
      %gt3A_1077 = vector.broadcast %gt3A_1076 : i32 to vector<16xi32>
      %gt3A_1078 = arith.cmpi sgt, %iota3A, %gt3A_1077 : vector<16xi32>
      %and3A_1079 = arith.andi %eq3A_1075, %gt3A_1078 : vector<16xi1>
      %or3A_1080 = arith.ori %gt3A_1073, %and3A_1079 : vector<16xi1>
      %jit3A_1081 = arith.constant 1 : i32
      %jit3A_1082 = arith.constant 0 : i32
      %broadcast_in_dim3A_1083 = vector.broadcast %jit3A_1081 : i32 to vector<16xi32>
      %broadcast_in_dim3A_1084 = vector.broadcast %jit3A_1082 : i32 to vector<16xi32>
      %select_n3A_1085 = arith.select %or3A_1080, %broadcast_in_dim3A_1083, %broadcast_in_dim3A_1084 : vector<16xi1>, vector<16xi32>
      %add3A_1086 = arith.addi %add3A_1061, %select_n3A_1085 : vector<16xi32>
      %eq3A_1087 = arith.constant 9 : i32
      %eq3A_1088 = vector.broadcast %eq3A_1087 : i32 to vector<16xi32>
      %eq3A_1089 = arith.cmpi eq, %iota3A, %eq3A_1088 : vector<16xi32>
      %jit3A_1090 = arith.constant 0.000000e+00 : f32
      %broadcast_in_dim3A_1091 = vector.broadcast %jit3A_1090 : f32 to vector<16xf32>
      %select_n3A_1092 = arith.select %eq3A_1089, %get3A_855, %broadcast_in_dim3A_1091 : vector<16xi1>, vector<16xf32>
      %reduce_sum3A_1093 = arith.constant true
      %reduce_sum3A_1094 = vector.broadcast %reduce_sum3A_1093 : i1 to vector<16xi1>
      %reduce_sum3A_1095 = tpu.scan <sum>, %select_n3A_1092 masked %reduce_sum3A_1094 : vector<16xf32>, vector<16xi1> -> vector<16xf32>
      %reduce_sum3A_1096 = vector.extract %reduce_sum3A_1095[15] : f32 from vector<16xf32>
      %gt3A_1097 = vector.broadcast %reduce_sum3A_1096 : f32 to vector<16xf32>
      %gt3A_1098 = arith.cmpf ogt, %gt3A_1097, %get3A_855 : vector<16xf32>
      %eq3A_1099 = vector.broadcast %reduce_sum3A_1096 : f32 to vector<16xf32>
      %eq3A_1100 = arith.cmpf oeq, %eq3A_1099, %get3A_855 : vector<16xf32>
      %gt3A_1101 = arith.constant 9 : i32
      %gt3A_1102 = vector.broadcast %gt3A_1101 : i32 to vector<16xi32>
      %gt3A_1103 = arith.cmpi sgt, %iota3A, %gt3A_1102 : vector<16xi32>
      %and3A_1104 = arith.andi %eq3A_1100, %gt3A_1103 : vector<16xi1>
      %or3A_1105 = arith.ori %gt3A_1098, %and3A_1104 : vector<16xi1>
      %jit3A_1106 = arith.constant 1 : i32
      %jit3A_1107 = arith.constant 0 : i32
      %broadcast_in_dim3A_1108 = vector.broadcast %jit3A_1106 : i32 to vector<16xi32>
      %broadcast_in_dim3A_1109 = vector.broadcast %jit3A_1107 : i32 to vector<16xi32>
      %select_n3A_1110 = arith.select %or3A_1105, %broadcast_in_dim3A_1108, %broadcast_in_dim3A_1109 : vector<16xi1>, vector<16xi32>
      %add3A_1111 = arith.addi %add3A_1086, %select_n3A_1110 : vector<16xi32>
      %eq3A_1112 = arith.constant 10 : i32
      %eq3A_1113 = vector.broadcast %eq3A_1112 : i32 to vector<16xi32>
      %eq3A_1114 = arith.cmpi eq, %iota3A, %eq3A_1113 : vector<16xi32>
      %jit3A_1115 = arith.constant 0.000000e+00 : f32
      %broadcast_in_dim3A_1116 = vector.broadcast %jit3A_1115 : f32 to vector<16xf32>
      %select_n3A_1117 = arith.select %eq3A_1114, %get3A_855, %broadcast_in_dim3A_1116 : vector<16xi1>, vector<16xf32>
      %reduce_sum3A_1118 = arith.constant true
      %reduce_sum3A_1119 = vector.broadcast %reduce_sum3A_1118 : i1 to vector<16xi1>
      %reduce_sum3A_1120 = tpu.scan <sum>, %select_n3A_1117 masked %reduce_sum3A_1119 : vector<16xf32>, vector<16xi1> -> vector<16xf32>
      %reduce_sum3A_1121 = vector.extract %reduce_sum3A_1120[15] : f32 from vector<16xf32>
      %gt3A_1122 = vector.broadcast %reduce_sum3A_1121 : f32 to vector<16xf32>
      %gt3A_1123 = arith.cmpf ogt, %gt3A_1122, %get3A_855 : vector<16xf32>
      %eq3A_1124 = vector.broadcast %reduce_sum3A_1121 : f32 to vector<16xf32>
      %eq3A_1125 = arith.cmpf oeq, %eq3A_1124, %get3A_855 : vector<16xf32>
      %gt3A_1126 = arith.constant 10 : i32
      %gt3A_1127 = vector.broadcast %gt3A_1126 : i32 to vector<16xi32>
      %gt3A_1128 = arith.cmpi sgt, %iota3A, %gt3A_1127 : vector<16xi32>
      %and3A_1129 = arith.andi %eq3A_1125, %gt3A_1128 : vector<16xi1>
      %or3A_1130 = arith.ori %gt3A_1123, %and3A_1129 : vector<16xi1>
      %jit3A_1131 = arith.constant 1 : i32
      %jit3A_1132 = arith.constant 0 : i32
      %broadcast_in_dim3A_1133 = vector.broadcast %jit3A_1131 : i32 to vector<16xi32>
      %broadcast_in_dim3A_1134 = vector.broadcast %jit3A_1132 : i32 to vector<16xi32>
      %select_n3A_1135 = arith.select %or3A_1130, %broadcast_in_dim3A_1133, %broadcast_in_dim3A_1134 : vector<16xi1>, vector<16xi32>
      %add3A_1136 = arith.addi %add3A_1111, %select_n3A_1135 : vector<16xi32>
      %eq3A_1137 = arith.constant 11 : i32
      %eq3A_1138 = vector.broadcast %eq3A_1137 : i32 to vector<16xi32>
      %eq3A_1139 = arith.cmpi eq, %iota3A, %eq3A_1138 : vector<16xi32>
      %jit3A_1140 = arith.constant 0.000000e+00 : f32
      %broadcast_in_dim3A_1141 = vector.broadcast %jit3A_1140 : f32 to vector<16xf32>
      %select_n3A_1142 = arith.select %eq3A_1139, %get3A_855, %broadcast_in_dim3A_1141 : vector<16xi1>, vector<16xf32>
      %reduce_sum3A_1143 = arith.constant true
      %reduce_sum3A_1144 = vector.broadcast %reduce_sum3A_1143 : i1 to vector<16xi1>
      %reduce_sum3A_1145 = tpu.scan <sum>, %select_n3A_1142 masked %reduce_sum3A_1144 : vector<16xf32>, vector<16xi1> -> vector<16xf32>
      %reduce_sum3A_1146 = vector.extract %reduce_sum3A_1145[15] : f32 from vector<16xf32>
      %gt3A_1147 = vector.broadcast %reduce_sum3A_1146 : f32 to vector<16xf32>
      %gt3A_1148 = arith.cmpf ogt, %gt3A_1147, %get3A_855 : vector<16xf32>
      %eq3A_1149 = vector.broadcast %reduce_sum3A_1146 : f32 to vector<16xf32>
      %eq3A_1150 = arith.cmpf oeq, %eq3A_1149, %get3A_855 : vector<16xf32>
      %gt3A_1151 = arith.constant 11 : i32
      %gt3A_1152 = vector.broadcast %gt3A_1151 : i32 to vector<16xi32>
      %gt3A_1153 = arith.cmpi sgt, %iota3A, %gt3A_1152 : vector<16xi32>
      %and3A_1154 = arith.andi %eq3A_1150, %gt3A_1153 : vector<16xi1>
      %or3A_1155 = arith.ori %gt3A_1148, %and3A_1154 : vector<16xi1>
      %jit3A_1156 = arith.constant 1 : i32
      %jit3A_1157 = arith.constant 0 : i32
      %broadcast_in_dim3A_1158 = vector.broadcast %jit3A_1156 : i32 to vector<16xi32>
      %broadcast_in_dim3A_1159 = vector.broadcast %jit3A_1157 : i32 to vector<16xi32>
      %select_n3A_1160 = arith.select %or3A_1155, %broadcast_in_dim3A_1158, %broadcast_in_dim3A_1159 : vector<16xi1>, vector<16xi32>
      %add3A_1161 = arith.addi %add3A_1136, %select_n3A_1160 : vector<16xi32>
      %eq3A_1162 = arith.constant 12 : i32
      %eq3A_1163 = vector.broadcast %eq3A_1162 : i32 to vector<16xi32>
      %eq3A_1164 = arith.cmpi eq, %iota3A, %eq3A_1163 : vector<16xi32>
      %jit3A_1165 = arith.constant 0.000000e+00 : f32
      %broadcast_in_dim3A_1166 = vector.broadcast %jit3A_1165 : f32 to vector<16xf32>
      %select_n3A_1167 = arith.select %eq3A_1164, %get3A_855, %broadcast_in_dim3A_1166 : vector<16xi1>, vector<16xf32>
      %reduce_sum3A_1168 = arith.constant true
      %reduce_sum3A_1169 = vector.broadcast %reduce_sum3A_1168 : i1 to vector<16xi1>
      %reduce_sum3A_1170 = tpu.scan <sum>, %select_n3A_1167 masked %reduce_sum3A_1169 : vector<16xf32>, vector<16xi1> -> vector<16xf32>
      %reduce_sum3A_1171 = vector.extract %reduce_sum3A_1170[15] : f32 from vector<16xf32>
      %gt3A_1172 = vector.broadcast %reduce_sum3A_1171 : f32 to vector<16xf32>
      %gt3A_1173 = arith.cmpf ogt, %gt3A_1172, %get3A_855 : vector<16xf32>
      %eq3A_1174 = vector.broadcast %reduce_sum3A_1171 : f32 to vector<16xf32>
      %eq3A_1175 = arith.cmpf oeq, %eq3A_1174, %get3A_855 : vector<16xf32>
      %gt3A_1176 = arith.constant 12 : i32
      %gt3A_1177 = vector.broadcast %gt3A_1176 : i32 to vector<16xi32>
      %gt3A_1178 = arith.cmpi sgt, %iota3A, %gt3A_1177 : vector<16xi32>
      %and3A_1179 = arith.andi %eq3A_1175, %gt3A_1178 : vector<16xi1>
      %or3A_1180 = arith.ori %gt3A_1173, %and3A_1179 : vector<16xi1>
      %jit3A_1181 = arith.constant 1 : i32
      %jit3A_1182 = arith.constant 0 : i32
      %broadcast_in_dim3A_1183 = vector.broadcast %jit3A_1181 : i32 to vector<16xi32>
      %broadcast_in_dim3A_1184 = vector.broadcast %jit3A_1182 : i32 to vector<16xi32>
      %select_n3A_1185 = arith.select %or3A_1180, %broadcast_in_dim3A_1183, %broadcast_in_dim3A_1184 : vector<16xi1>, vector<16xi32>
      %add3A_1186 = arith.addi %add3A_1161, %select_n3A_1185 : vector<16xi32>
      %eq3A_1187 = arith.constant 13 : i32
      %eq3A_1188 = vector.broadcast %eq3A_1187 : i32 to vector<16xi32>
      %eq3A_1189 = arith.cmpi eq, %iota3A, %eq3A_1188 : vector<16xi32>
      %jit3A_1190 = arith.constant 0.000000e+00 : f32
      %broadcast_in_dim3A_1191 = vector.broadcast %jit3A_1190 : f32 to vector<16xf32>
      %select_n3A_1192 = arith.select %eq3A_1189, %get3A_855, %broadcast_in_dim3A_1191 : vector<16xi1>, vector<16xf32>
      %reduce_sum3A_1193 = arith.constant true
      %reduce_sum3A_1194 = vector.broadcast %reduce_sum3A_1193 : i1 to vector<16xi1>
      %reduce_sum3A_1195 = tpu.scan <sum>, %select_n3A_1192 masked %reduce_sum3A_1194 : vector<16xf32>, vector<16xi1> -> vector<16xf32>
      %reduce_sum3A_1196 = vector.extract %reduce_sum3A_1195[15] : f32 from vector<16xf32>
      %gt3A_1197 = vector.broadcast %reduce_sum3A_1196 : f32 to vector<16xf32>
      %gt3A_1198 = arith.cmpf ogt, %gt3A_1197, %get3A_855 : vector<16xf32>
      %eq3A_1199 = vector.broadcast %reduce_sum3A_1196 : f32 to vector<16xf32>
      %eq3A_1200 = arith.cmpf oeq, %eq3A_1199, %get3A_855 : vector<16xf32>
      %gt3A_1201 = arith.constant 13 : i32
      %gt3A_1202 = vector.broadcast %gt3A_1201 : i32 to vector<16xi32>
      %gt3A_1203 = arith.cmpi sgt, %iota3A, %gt3A_1202 : vector<16xi32>
      %and3A_1204 = arith.andi %eq3A_1200, %gt3A_1203 : vector<16xi1>
      %or3A_1205 = arith.ori %gt3A_1198, %and3A_1204 : vector<16xi1>
      %jit3A_1206 = arith.constant 1 : i32
      %jit3A_1207 = arith.constant 0 : i32
      %broadcast_in_dim3A_1208 = vector.broadcast %jit3A_1206 : i32 to vector<16xi32>
      %broadcast_in_dim3A_1209 = vector.broadcast %jit3A_1207 : i32 to vector<16xi32>
      %select_n3A_1210 = arith.select %or3A_1205, %broadcast_in_dim3A_1208, %broadcast_in_dim3A_1209 : vector<16xi1>, vector<16xi32>
      %add3A_1211 = arith.addi %add3A_1186, %select_n3A_1210 : vector<16xi32>
      %eq3A_1212 = arith.constant 14 : i32
      %eq3A_1213 = vector.broadcast %eq3A_1212 : i32 to vector<16xi32>
      %eq3A_1214 = arith.cmpi eq, %iota3A, %eq3A_1213 : vector<16xi32>
      %jit3A_1215 = arith.constant 0.000000e+00 : f32
      %broadcast_in_dim3A_1216 = vector.broadcast %jit3A_1215 : f32 to vector<16xf32>
      %select_n3A_1217 = arith.select %eq3A_1214, %get3A_855, %broadcast_in_dim3A_1216 : vector<16xi1>, vector<16xf32>
      %reduce_sum3A_1218 = arith.constant true
      %reduce_sum3A_1219 = vector.broadcast %reduce_sum3A_1218 : i1 to vector<16xi1>
      %reduce_sum3A_1220 = tpu.scan <sum>, %select_n3A_1217 masked %reduce_sum3A_1219 : vector<16xf32>, vector<16xi1> -> vector<16xf32>
      %reduce_sum3A_1221 = vector.extract %reduce_sum3A_1220[15] : f32 from vector<16xf32>
      %gt3A_1222 = vector.broadcast %reduce_sum3A_1221 : f32 to vector<16xf32>
      %gt3A_1223 = arith.cmpf ogt, %gt3A_1222, %get3A_855 : vector<16xf32>
      %eq3A_1224 = vector.broadcast %reduce_sum3A_1221 : f32 to vector<16xf32>
      %eq3A_1225 = arith.cmpf oeq, %eq3A_1224, %get3A_855 : vector<16xf32>
      %gt3A_1226 = arith.constant 14 : i32
      %gt3A_1227 = vector.broadcast %gt3A_1226 : i32 to vector<16xi32>
      %gt3A_1228 = arith.cmpi sgt, %iota3A, %gt3A_1227 : vector<16xi32>
      %and3A_1229 = arith.andi %eq3A_1225, %gt3A_1228 : vector<16xi1>
      %or3A_1230 = arith.ori %gt3A_1223, %and3A_1229 : vector<16xi1>
      %jit3A_1231 = arith.constant 1 : i32
      %jit3A_1232 = arith.constant 0 : i32
      %broadcast_in_dim3A_1233 = vector.broadcast %jit3A_1231 : i32 to vector<16xi32>
      %broadcast_in_dim3A_1234 = vector.broadcast %jit3A_1232 : i32 to vector<16xi32>
      %select_n3A_1235 = arith.select %or3A_1230, %broadcast_in_dim3A_1233, %broadcast_in_dim3A_1234 : vector<16xi1>, vector<16xi32>
      %add3A_1236 = arith.addi %add3A_1211, %select_n3A_1235 : vector<16xi32>
      %eq3A_1237 = arith.constant 15 : i32
      %eq3A_1238 = vector.broadcast %eq3A_1237 : i32 to vector<16xi32>
      %eq3A_1239 = arith.cmpi eq, %iota3A, %eq3A_1238 : vector<16xi32>
      %jit3A_1240 = arith.constant 0.000000e+00 : f32
      %broadcast_in_dim3A_1241 = vector.broadcast %jit3A_1240 : f32 to vector<16xf32>
      %select_n3A_1242 = arith.select %eq3A_1239, %get3A_855, %broadcast_in_dim3A_1241 : vector<16xi1>, vector<16xf32>
      %reduce_sum3A_1243 = arith.constant true
      %reduce_sum3A_1244 = vector.broadcast %reduce_sum3A_1243 : i1 to vector<16xi1>
      %reduce_sum3A_1245 = tpu.scan <sum>, %select_n3A_1242 masked %reduce_sum3A_1244 : vector<16xf32>, vector<16xi1> -> vector<16xf32>
      %reduce_sum3A_1246 = vector.extract %reduce_sum3A_1245[15] : f32 from vector<16xf32>
      %gt3A_1247 = vector.broadcast %reduce_sum3A_1246 : f32 to vector<16xf32>
      %gt3A_1248 = arith.cmpf ogt, %gt3A_1247, %get3A_855 : vector<16xf32>
      %eq3A_1249 = vector.broadcast %reduce_sum3A_1246 : f32 to vector<16xf32>
      %eq3A_1250 = arith.cmpf oeq, %eq3A_1249, %get3A_855 : vector<16xf32>
      %gt3A_1251 = arith.constant 15 : i32
      %gt3A_1252 = vector.broadcast %gt3A_1251 : i32 to vector<16xi32>
      %gt3A_1253 = arith.cmpi sgt, %iota3A, %gt3A_1252 : vector<16xi32>
      %and3A_1254 = arith.andi %eq3A_1250, %gt3A_1253 : vector<16xi1>
      %or3A_1255 = arith.ori %gt3A_1248, %and3A_1254 : vector<16xi1>
      %jit3A_1256 = arith.constant 1 : i32
      %jit3A_1257 = arith.constant 0 : i32
      %broadcast_in_dim3A_1258 = vector.broadcast %jit3A_1256 : i32 to vector<16xi32>
      %broadcast_in_dim3A_1259 = vector.broadcast %jit3A_1257 : i32 to vector<16xi32>
      %select_n3A_1260 = arith.select %or3A_1255, %broadcast_in_dim3A_1258, %broadcast_in_dim3A_1259 : vector<16xi1>, vector<16xi32>
      %add3A_1261 = arith.addi %add3A_1236, %select_n3A_1260 : vector<16xi32>
      %lt3A_1262 = arith.cmpi slt, %add3A_1261, %get3A_859 : vector<16xi32>
      %jit3A_1263 = arith.constant 0.000000e+00 : f32
      %broadcast_in_dim3A_1264 = vector.broadcast %jit3A_1263 : f32 to vector<16xf32>
      %select_n3A_1265 = arith.select %lt3A_1262, %get3A_855, %broadcast_in_dim3A_1264 : vector<16xi1>, vector<16xf32>
      %reduce_max3A_1266 = arith.constant true
      %reduce_max3A_1267 = vector.broadcast %reduce_max3A_1266 : i1 to vector<16xi1>
      %reduce_max3A_1268 = tpu.scan <max>, %select_n3A_1265 masked %reduce_max3A_1267 : vector<16xf32>, vector<16xi1> -> vector<16xf32>
      %reduce_max3A_1269 = vector.extract %reduce_max3A_1268[15] : f32 from vector<16xf32>
      %sub3A_1270 = vector.broadcast %reduce_max3A_1269 : f32 to vector<16xf32>
      %sub3A_1271 = arith.subf %select_n3A_1265, %sub3A_1270 : vector<16xf32>
      %exp3A_1272 = math.exp %sub3A_1271 : vector<16xf32>
      %reduce_sum3A_1273 = arith.constant true
      %reduce_sum3A_1274 = vector.broadcast %reduce_sum3A_1273 : i1 to vector<16xi1>
      %reduce_sum3A_1275 = tpu.scan <sum>, %exp3A_1272 masked %reduce_sum3A_1274 : vector<16xf32>, vector<16xi1> -> vector<16xf32>
      %reduce_sum3A_1276 = vector.extract %reduce_sum3A_1275[15] : f32 from vector<16xf32>
      %div3A_1277 = vector.broadcast %reduce_sum3A_1276 : f32 to vector<16xf32>
      %div3A_1278 = arith.divf %exp3A_1272, %div3A_1277 : vector<16xf32>
      %swap3A_1279 = arith.constant 2 : i32
      %swap3A_1280 = arith.index_cast %swap3A_1279 : i32 to index
      %swap3A_1281 = arith.constant 0 : index
      %swap3A_1282 = tpu.vector_load %arg7[%swap3A_1280, %swap3A_1281] {strides = array<i32>} : memref<4x16xf32, #tpu.memory_space<vmem>>, vector<16xf32>,
      tpu.vector_store %arg7[%swap3A_1280, %swap3A_1281], %div3A_1278 {strides = array<i32>} : memref<4x16xf32, #tpu.memory_space<vmem>>, vector<16xf32>,
      %get3A_1283 = arith.constant 3 : i32
      %get3A_1284 = arith.index_cast %get3A_1283 : i32 to index
      %get3A_1285 = arith.constant 0 : index
      %get3A_1286 = tpu.vector_load %arg5[%get3A_1284, %get3A_1285] {strides = array<i32>} : memref<4x16xf32, #tpu.memory_space<vmem>>, vector<16xf32>,
      %get3A_1287 = arith.constant 3 : i32
      %get3A_1288 = arith.index_cast %get3A_1287 : i32 to index
      %get3A_1289 = arith.constant 0 : index
      %get3A_1290 = tpu.vector_load %arg6[%get3A_1288, %get3A_1289] {strides = array<i32>} : memref<4x16xi32, #tpu.memory_space<vmem>>, vector<16xi32>,
      %broadcast_in_dim3A_1291 = arith.constant 0 : i32
      %broadcast_in_dim3A_1292 = vector.broadcast %broadcast_in_dim3A_1291 : i32 to vector<16xi32>
      %eq3A_1293 = arith.constant 0 : i32
      %eq3A_1294 = vector.broadcast %eq3A_1293 : i32 to vector<16xi32>
      %eq3A_1295 = arith.cmpi eq, %iota3A, %eq3A_1294 : vector<16xi32>
      %jit3A_1296 = arith.constant 0.000000e+00 : f32
      %broadcast_in_dim3A_1297 = vector.broadcast %jit3A_1296 : f32 to vector<16xf32>
      %select_n3A_1298 = arith.select %eq3A_1295, %get3A_1286, %broadcast_in_dim3A_1297 : vector<16xi1>, vector<16xf32>
      %reduce_sum3A_1299 = arith.constant true
      %reduce_sum3A_1300 = vector.broadcast %reduce_sum3A_1299 : i1 to vector<16xi1>
      %reduce_sum3A_1301 = tpu.scan <sum>, %select_n3A_1298 masked %reduce_sum3A_1300 : vector<16xf32>, vector<16xi1> -> vector<16xf32>
      %reduce_sum3A_1302 = vector.extract %reduce_sum3A_1301[15] : f32 from vector<16xf32>
      %gt3A_1303 = vector.broadcast %reduce_sum3A_1302 : f32 to vector<16xf32>
      %gt3A_1304 = arith.cmpf ogt, %gt3A_1303, %get3A_1286 : vector<16xf32>
      %eq3A_1305 = vector.broadcast %reduce_sum3A_1302 : f32 to vector<16xf32>
      %eq3A_1306 = arith.cmpf oeq, %eq3A_1305, %get3A_1286 : vector<16xf32>
      %gt3A_1307 = arith.constant 0 : i32
      %gt3A_1308 = vector.broadcast %gt3A_1307 : i32 to vector<16xi32>
      %gt3A_1309 = arith.cmpi sgt, %iota3A, %gt3A_1308 : vector<16xi32>
      %and3A_1310 = arith.andi %eq3A_1306, %gt3A_1309 : vector<16xi1>
      %or3A_1311 = arith.ori %gt3A_1304, %and3A_1310 : vector<16xi1>
      %jit3A_1312 = arith.constant 1 : i32
      %jit3A_1313 = arith.constant 0 : i32
      %broadcast_in_dim3A_1314 = vector.broadcast %jit3A_1312 : i32 to vector<16xi32>
      %broadcast_in_dim3A_1315 = vector.broadcast %jit3A_1313 : i32 to vector<16xi32>
      %select_n3A_1316 = arith.select %or3A_1311, %broadcast_in_dim3A_1314, %broadcast_in_dim3A_1315 : vector<16xi1>, vector<16xi32>
      %add3A_1317 = arith.addi %broadcast_in_dim3A_1292, %select_n3A_1316 : vector<16xi32>
      %eq3A_1318 = arith.constant 1 : i32
      %eq3A_1319 = vector.broadcast %eq3A_1318 : i32 to vector<16xi32>
      %eq3A_1320 = arith.cmpi eq, %iota3A, %eq3A_1319 : vector<16xi32>
      %jit3A_1321 = arith.constant 0.000000e+00 : f32
      %broadcast_in_dim3A_1322 = vector.broadcast %jit3A_1321 : f32 to vector<16xf32>
      %select_n3A_1323 = arith.select %eq3A_1320, %get3A_1286, %broadcast_in_dim3A_1322 : vector<16xi1>, vector<16xf32>
      %reduce_sum3A_1324 = arith.constant true
      %reduce_sum3A_1325 = vector.broadcast %reduce_sum3A_1324 : i1 to vector<16xi1>
      %reduce_sum3A_1326 = tpu.scan <sum>, %select_n3A_1323 masked %reduce_sum3A_1325 : vector<16xf32>, vector<16xi1> -> vector<16xf32>
      %reduce_sum3A_1327 = vector.extract %reduce_sum3A_1326[15] : f32 from vector<16xf32>
      %gt3A_1328 = vector.broadcast %reduce_sum3A_1327 : f32 to vector<16xf32>
      %gt3A_1329 = arith.cmpf ogt, %gt3A_1328, %get3A_1286 : vector<16xf32>
      %eq3A_1330 = vector.broadcast %reduce_sum3A_1327 : f32 to vector<16xf32>
      %eq3A_1331 = arith.cmpf oeq, %eq3A_1330, %get3A_1286 : vector<16xf32>
      %gt3A_1332 = arith.constant 1 : i32
      %gt3A_1333 = vector.broadcast %gt3A_1332 : i32 to vector<16xi32>
      %gt3A_1334 = arith.cmpi sgt, %iota3A, %gt3A_1333 : vector<16xi32>
      %and3A_1335 = arith.andi %eq3A_1331, %gt3A_1334 : vector<16xi1>
      %or3A_1336 = arith.ori %gt3A_1329, %and3A_1335 : vector<16xi1>
      %jit3A_1337 = arith.constant 1 : i32
      %jit3A_1338 = arith.constant 0 : i32
      %broadcast_in_dim3A_1339 = vector.broadcast %jit3A_1337 : i32 to vector<16xi32>
      %broadcast_in_dim3A_1340 = vector.broadcast %jit3A_1338 : i32 to vector<16xi32>
      %select_n3A_1341 = arith.select %or3A_1336, %broadcast_in_dim3A_1339, %broadcast_in_dim3A_1340 : vector<16xi1>, vector<16xi32>
      %add3A_1342 = arith.addi %add3A_1317, %select_n3A_1341 : vector<16xi32>
      %eq3A_1343 = arith.constant 2 : i32
      %eq3A_1344 = vector.broadcast %eq3A_1343 : i32 to vector<16xi32>
      %eq3A_1345 = arith.cmpi eq, %iota3A, %eq3A_1344 : vector<16xi32>
      %jit3A_1346 = arith.constant 0.000000e+00 : f32
      %broadcast_in_dim3A_1347 = vector.broadcast %jit3A_1346 : f32 to vector<16xf32>
      %select_n3A_1348 = arith.select %eq3A_1345, %get3A_1286, %broadcast_in_dim3A_1347 : vector<16xi1>, vector<16xf32>
      %reduce_sum3A_1349 = arith.constant true
      %reduce_sum3A_1350 = vector.broadcast %reduce_sum3A_1349 : i1 to vector<16xi1>
      %reduce_sum3A_1351 = tpu.scan <sum>, %select_n3A_1348 masked %reduce_sum3A_1350 : vector<16xf32>, vector<16xi1> -> vector<16xf32>
      %reduce_sum3A_1352 = vector.extract %reduce_sum3A_1351[15] : f32 from vector<16xf32>
      %gt3A_1353 = vector.broadcast %reduce_sum3A_1352 : f32 to vector<16xf32>
      %gt3A_1354 = arith.cmpf ogt, %gt3A_1353, %get3A_1286 : vector<16xf32>
      %eq3A_1355 = vector.broadcast %reduce_sum3A_1352 : f32 to vector<16xf32>
      %eq3A_1356 = arith.cmpf oeq, %eq3A_1355, %get3A_1286 : vector<16xf32>
      %gt3A_1357 = arith.constant 2 : i32
      %gt3A_1358 = vector.broadcast %gt3A_1357 : i32 to vector<16xi32>
      %gt3A_1359 = arith.cmpi sgt, %iota3A, %gt3A_1358 : vector<16xi32>
      %and3A_1360 = arith.andi %eq3A_1356, %gt3A_1359 : vector<16xi1>
      %or3A_1361 = arith.ori %gt3A_1354, %and3A_1360 : vector<16xi1>
      %jit3A_1362 = arith.constant 1 : i32
      %jit3A_1363 = arith.constant 0 : i32
      %broadcast_in_dim3A_1364 = vector.broadcast %jit3A_1362 : i32 to vector<16xi32>
      %broadcast_in_dim3A_1365 = vector.broadcast %jit3A_1363 : i32 to vector<16xi32>
      %select_n3A_1366 = arith.select %or3A_1361, %broadcast_in_dim3A_1364, %broadcast_in_dim3A_1365 : vector<16xi1>, vector<16xi32>
      %add3A_1367 = arith.addi %add3A_1342, %select_n3A_1366 : vector<16xi32>
      %eq3A_1368 = arith.constant 3 : i32
      %eq3A_1369 = vector.broadcast %eq3A_1368 : i32 to vector<16xi32>
      %eq3A_1370 = arith.cmpi eq, %iota3A, %eq3A_1369 : vector<16xi32>
      %jit3A_1371 = arith.constant 0.000000e+00 : f32
      %broadcast_in_dim3A_1372 = vector.broadcast %jit3A_1371 : f32 to vector<16xf32>
      %select_n3A_1373 = arith.select %eq3A_1370, %get3A_1286, %broadcast_in_dim3A_1372 : vector<16xi1>, vector<16xf32>
      %reduce_sum3A_1374 = arith.constant true
      %reduce_sum3A_1375 = vector.broadcast %reduce_sum3A_1374 : i1 to vector<16xi1>
      %reduce_sum3A_1376 = tpu.scan <sum>, %select_n3A_1373 masked %reduce_sum3A_1375 : vector<16xf32>, vector<16xi1> -> vector<16xf32>
      %reduce_sum3A_1377 = vector.extract %reduce_sum3A_1376[15] : f32 from vector<16xf32>
      %gt3A_1378 = vector.broadcast %reduce_sum3A_1377 : f32 to vector<16xf32>
      %gt3A_1379 = arith.cmpf ogt, %gt3A_1378, %get3A_1286 : vector<16xf32>
      %eq3A_1380 = vector.broadcast %reduce_sum3A_1377 : f32 to vector<16xf32>
      %eq3A_1381 = arith.cmpf oeq, %eq3A_1380, %get3A_1286 : vector<16xf32>
      %gt3A_1382 = arith.constant 3 : i32
      %gt3A_1383 = vector.broadcast %gt3A_1382 : i32 to vector<16xi32>
      %gt3A_1384 = arith.cmpi sgt, %iota3A, %gt3A_1383 : vector<16xi32>
      %and3A_1385 = arith.andi %eq3A_1381, %gt3A_1384 : vector<16xi1>
      %or3A_1386 = arith.ori %gt3A_1379, %and3A_1385 : vector<16xi1>
      %jit3A_1387 = arith.constant 1 : i32
      %jit3A_1388 = arith.constant 0 : i32
      %broadcast_in_dim3A_1389 = vector.broadcast %jit3A_1387 : i32 to vector<16xi32>
      %broadcast_in_dim3A_1390 = vector.broadcast %jit3A_1388 : i32 to vector<16xi32>
      %select_n3A_1391 = arith.select %or3A_1386, %broadcast_in_dim3A_1389, %broadcast_in_dim3A_1390 : vector<16xi1>, vector<16xi32>
      %add3A_1392 = arith.addi %add3A_1367, %select_n3A_1391 : vector<16xi32>
      %eq3A_1393 = arith.constant 4 : i32
      %eq3A_1394 = vector.broadcast %eq3A_1393 : i32 to vector<16xi32>
      %eq3A_1395 = arith.cmpi eq, %iota3A, %eq3A_1394 : vector<16xi32>
      %jit3A_1396 = arith.constant 0.000000e+00 : f32
      %broadcast_in_dim3A_1397 = vector.broadcast %jit3A_1396 : f32 to vector<16xf32>
      %select_n3A_1398 = arith.select %eq3A_1395, %get3A_1286, %broadcast_in_dim3A_1397 : vector<16xi1>, vector<16xf32>
      %reduce_sum3A_1399 = arith.constant true
      %reduce_sum3A_1400 = vector.broadcast %reduce_sum3A_1399 : i1 to vector<16xi1>
      %reduce_sum3A_1401 = tpu.scan <sum>, %select_n3A_1398 masked %reduce_sum3A_1400 : vector<16xf32>, vector<16xi1> -> vector<16xf32>
      %reduce_sum3A_1402 = vector.extract %reduce_sum3A_1401[15] : f32 from vector<16xf32>
      %gt3A_1403 = vector.broadcast %reduce_sum3A_1402 : f32 to vector<16xf32>
      %gt3A_1404 = arith.cmpf ogt, %gt3A_1403, %get3A_1286 : vector<16xf32>
      %eq3A_1405 = vector.broadcast %reduce_sum3A_1402 : f32 to vector<16xf32>
      %eq3A_1406 = arith.cmpf oeq, %eq3A_1405, %get3A_1286 : vector<16xf32>
      %gt3A_1407 = arith.constant 4 : i32
      %gt3A_1408 = vector.broadcast %gt3A_1407 : i32 to vector<16xi32>
      %gt3A_1409 = arith.cmpi sgt, %iota3A, %gt3A_1408 : vector<16xi32>
      %and3A_1410 = arith.andi %eq3A_1406, %gt3A_1409 : vector<16xi1>
      %or3A_1411 = arith.ori %gt3A_1404, %and3A_1410 : vector<16xi1>
      %jit3A_1412 = arith.constant 1 : i32
      %jit3A_1413 = arith.constant 0 : i32
      %broadcast_in_dim3A_1414 = vector.broadcast %jit3A_1412 : i32 to vector<16xi32>
      %broadcast_in_dim3A_1415 = vector.broadcast %jit3A_1413 : i32 to vector<16xi32>
      %select_n3A_1416 = arith.select %or3A_1411, %broadcast_in_dim3A_1414, %broadcast_in_dim3A_1415 : vector<16xi1>, vector<16xi32>
      %add3A_1417 = arith.addi %add3A_1392, %select_n3A_1416 : vector<16xi32>
      %eq3A_1418 = arith.constant 5 : i32
      %eq3A_1419 = vector.broadcast %eq3A_1418 : i32 to vector<16xi32>
      %eq3A_1420 = arith.cmpi eq, %iota3A, %eq3A_1419 : vector<16xi32>
      %jit3A_1421 = arith.constant 0.000000e+00 : f32
      %broadcast_in_dim3A_1422 = vector.broadcast %jit3A_1421 : f32 to vector<16xf32>
      %select_n3A_1423 = arith.select %eq3A_1420, %get3A_1286, %broadcast_in_dim3A_1422 : vector<16xi1>, vector<16xf32>
      %reduce_sum3A_1424 = arith.constant true
      %reduce_sum3A_1425 = vector.broadcast %reduce_sum3A_1424 : i1 to vector<16xi1>
      %reduce_sum3A_1426 = tpu.scan <sum>, %select_n3A_1423 masked %reduce_sum3A_1425 : vector<16xf32>, vector<16xi1> -> vector<16xf32>
      %reduce_sum3A_1427 = vector.extract %reduce_sum3A_1426[15] : f32 from vector<16xf32>
      %gt3A_1428 = vector.broadcast %reduce_sum3A_1427 : f32 to vector<16xf32>
      %gt3A_1429 = arith.cmpf ogt, %gt3A_1428, %get3A_1286 : vector<16xf32>
      %eq3A_1430 = vector.broadcast %reduce_sum3A_1427 : f32 to vector<16xf32>
      %eq3A_1431 = arith.cmpf oeq, %eq3A_1430, %get3A_1286 : vector<16xf32>
      %gt3A_1432 = arith.constant 5 : i32
      %gt3A_1433 = vector.broadcast %gt3A_1432 : i32 to vector<16xi32>
      %gt3A_1434 = arith.cmpi sgt, %iota3A, %gt3A_1433 : vector<16xi32>
      %and3A_1435 = arith.andi %eq3A_1431, %gt3A_1434 : vector<16xi1>
      %or3A_1436 = arith.ori %gt3A_1429, %and3A_1435 : vector<16xi1>
      %jit3A_1437 = arith.constant 1 : i32
      %jit3A_1438 = arith.constant 0 : i32
      %broadcast_in_dim3A_1439 = vector.broadcast %jit3A_1437 : i32 to vector<16xi32>
      %broadcast_in_dim3A_1440 = vector.broadcast %jit3A_1438 : i32 to vector<16xi32>
      %select_n3A_1441 = arith.select %or3A_1436, %broadcast_in_dim3A_1439, %broadcast_in_dim3A_1440 : vector<16xi1>, vector<16xi32>
      %add3A_1442 = arith.addi %add3A_1417, %select_n3A_1441 : vector<16xi32>
      %eq3A_1443 = arith.constant 6 : i32
      %eq3A_1444 = vector.broadcast %eq3A_1443 : i32 to vector<16xi32>
      %eq3A_1445 = arith.cmpi eq, %iota3A, %eq3A_1444 : vector<16xi32>
      %jit3A_1446 = arith.constant 0.000000e+00 : f32
      %broadcast_in_dim3A_1447 = vector.broadcast %jit3A_1446 : f32 to vector<16xf32>
      %select_n3A_1448 = arith.select %eq3A_1445, %get3A_1286, %broadcast_in_dim3A_1447 : vector<16xi1>, vector<16xf32>
      %reduce_sum3A_1449 = arith.constant true
      %reduce_sum3A_1450 = vector.broadcast %reduce_sum3A_1449 : i1 to vector<16xi1>
      %reduce_sum3A_1451 = tpu.scan <sum>, %select_n3A_1448 masked %reduce_sum3A_1450 : vector<16xf32>, vector<16xi1> -> vector<16xf32>
      %reduce_sum3A_1452 = vector.extract %reduce_sum3A_1451[15] : f32 from vector<16xf32>
      %gt3A_1453 = vector.broadcast %reduce_sum3A_1452 : f32 to vector<16xf32>
      %gt3A_1454 = arith.cmpf ogt, %gt3A_1453, %get3A_1286 : vector<16xf32>
      %eq3A_1455 = vector.broadcast %reduce_sum3A_1452 : f32 to vector<16xf32>
      %eq3A_1456 = arith.cmpf oeq, %eq3A_1455, %get3A_1286 : vector<16xf32>
      %gt3A_1457 = arith.constant 6 : i32
      %gt3A_1458 = vector.broadcast %gt3A_1457 : i32 to vector<16xi32>
      %gt3A_1459 = arith.cmpi sgt, %iota3A, %gt3A_1458 : vector<16xi32>
      %and3A_1460 = arith.andi %eq3A_1456, %gt3A_1459 : vector<16xi1>
      %or3A_1461 = arith.ori %gt3A_1454, %and3A_1460 : vector<16xi1>
      %jit3A_1462 = arith.constant 1 : i32
      %jit3A_1463 = arith.constant 0 : i32
      %broadcast_in_dim3A_1464 = vector.broadcast %jit3A_1462 : i32 to vector<16xi32>
      %broadcast_in_dim3A_1465 = vector.broadcast %jit3A_1463 : i32 to vector<16xi32>
      %select_n3A_1466 = arith.select %or3A_1461, %broadcast_in_dim3A_1464, %broadcast_in_dim3A_1465 : vector<16xi1>, vector<16xi32>
      %add3A_1467 = arith.addi %add3A_1442, %select_n3A_1466 : vector<16xi32>
      %eq3A_1468 = arith.constant 7 : i32
      %eq3A_1469 = vector.broadcast %eq3A_1468 : i32 to vector<16xi32>
      %eq3A_1470 = arith.cmpi eq, %iota3A, %eq3A_1469 : vector<16xi32>
      %jit3A_1471 = arith.constant 0.000000e+00 : f32
      %broadcast_in_dim3A_1472 = vector.broadcast %jit3A_1471 : f32 to vector<16xf32>
      %select_n3A_1473 = arith.select %eq3A_1470, %get3A_1286, %broadcast_in_dim3A_1472 : vector<16xi1>, vector<16xf32>
      %reduce_sum3A_1474 = arith.constant true
      %reduce_sum3A_1475 = vector.broadcast %reduce_sum3A_1474 : i1 to vector<16xi1>
      %reduce_sum3A_1476 = tpu.scan <sum>, %select_n3A_1473 masked %reduce_sum3A_1475 : vector<16xf32>, vector<16xi1> -> vector<16xf32>
      %reduce_sum3A_1477 = vector.extract %reduce_sum3A_1476[15] : f32 from vector<16xf32>
      %gt3A_1478 = vector.broadcast %reduce_sum3A_1477 : f32 to vector<16xf32>
      %gt3A_1479 = arith.cmpf ogt, %gt3A_1478, %get3A_1286 : vector<16xf32>
      %eq3A_1480 = vector.broadcast %reduce_sum3A_1477 : f32 to vector<16xf32>
      %eq3A_1481 = arith.cmpf oeq, %eq3A_1480, %get3A_1286 : vector<16xf32>
      %gt3A_1482 = arith.constant 7 : i32
      %gt3A_1483 = vector.broadcast %gt3A_1482 : i32 to vector<16xi32>
      %gt3A_1484 = arith.cmpi sgt, %iota3A, %gt3A_1483 : vector<16xi32>
      %and3A_1485 = arith.andi %eq3A_1481, %gt3A_1484 : vector<16xi1>
      %or3A_1486 = arith.ori %gt3A_1479, %and3A_1485 : vector<16xi1>
      %jit3A_1487 = arith.constant 1 : i32
      %jit3A_1488 = arith.constant 0 : i32
      %broadcast_in_dim3A_1489 = vector.broadcast %jit3A_1487 : i32 to vector<16xi32>
      %broadcast_in_dim3A_1490 = vector.broadcast %jit3A_1488 : i32 to vector<16xi32>
      %select_n3A_1491 = arith.select %or3A_1486, %broadcast_in_dim3A_1489, %broadcast_in_dim3A_1490 : vector<16xi1>, vector<16xi32>
      %add3A_1492 = arith.addi %add3A_1467, %select_n3A_1491 : vector<16xi32>
      %eq3A_1493 = arith.constant 8 : i32
      %eq3A_1494 = vector.broadcast %eq3A_1493 : i32 to vector<16xi32>
      %eq3A_1495 = arith.cmpi eq, %iota3A, %eq3A_1494 : vector<16xi32>
      %jit3A_1496 = arith.constant 0.000000e+00 : f32
      %broadcast_in_dim3A_1497 = vector.broadcast %jit3A_1496 : f32 to vector<16xf32>
      %select_n3A_1498 = arith.select %eq3A_1495, %get3A_1286, %broadcast_in_dim3A_1497 : vector<16xi1>, vector<16xf32>
      %reduce_sum3A_1499 = arith.constant true
      %reduce_sum3A_1500 = vector.broadcast %reduce_sum3A_1499 : i1 to vector<16xi1>
      %reduce_sum3A_1501 = tpu.scan <sum>, %select_n3A_1498 masked %reduce_sum3A_1500 : vector<16xf32>, vector<16xi1> -> vector<16xf32>
      %reduce_sum3A_1502 = vector.extract %reduce_sum3A_1501[15] : f32 from vector<16xf32>
      %gt3A_1503 = vector.broadcast %reduce_sum3A_1502 : f32 to vector<16xf32>
      %gt3A_1504 = arith.cmpf ogt, %gt3A_1503, %get3A_1286 : vector<16xf32>
      %eq3A_1505 = vector.broadcast %reduce_sum3A_1502 : f32 to vector<16xf32>
      %eq3A_1506 = arith.cmpf oeq, %eq3A_1505, %get3A_1286 : vector<16xf32>
      %gt3A_1507 = arith.constant 8 : i32
      %gt3A_1508 = vector.broadcast %gt3A_1507 : i32 to vector<16xi32>
      %gt3A_1509 = arith.cmpi sgt, %iota3A, %gt3A_1508 : vector<16xi32>
      %and3A_1510 = arith.andi %eq3A_1506, %gt3A_1509 : vector<16xi1>
      %or3A_1511 = arith.ori %gt3A_1504, %and3A_1510 : vector<16xi1>
      %jit3A_1512 = arith.constant 1 : i32
      %jit3A_1513 = arith.constant 0 : i32
      %broadcast_in_dim3A_1514 = vector.broadcast %jit3A_1512 : i32 to vector<16xi32>
      %broadcast_in_dim3A_1515 = vector.broadcast %jit3A_1513 : i32 to vector<16xi32>
      %select_n3A_1516 = arith.select %or3A_1511, %broadcast_in_dim3A_1514, %broadcast_in_dim3A_1515 : vector<16xi1>, vector<16xi32>
      %add3A_1517 = arith.addi %add3A_1492, %select_n3A_1516 : vector<16xi32>
      %eq3A_1518 = arith.constant 9 : i32
      %eq3A_1519 = vector.broadcast %eq3A_1518 : i32 to vector<16xi32>
      %eq3A_1520 = arith.cmpi eq, %iota3A, %eq3A_1519 : vector<16xi32>
      %jit3A_1521 = arith.constant 0.000000e+00 : f32
      %broadcast_in_dim3A_1522 = vector.broadcast %jit3A_1521 : f32 to vector<16xf32>
      %select_n3A_1523 = arith.select %eq3A_1520, %get3A_1286, %broadcast_in_dim3A_1522 : vector<16xi1>, vector<16xf32>
      %reduce_sum3A_1524 = arith.constant true
      %reduce_sum3A_1525 = vector.broadcast %reduce_sum3A_1524 : i1 to vector<16xi1>
      %reduce_sum3A_1526 = tpu.scan <sum>, %select_n3A_1523 masked %reduce_sum3A_1525 : vector<16xf32>, vector<16xi1> -> vector<16xf32>
      %reduce_sum3A_1527 = vector.extract %reduce_sum3A_1526[15] : f32 from vector<16xf32>
      %gt3A_1528 = vector.broadcast %reduce_sum3A_1527 : f32 to vector<16xf32>
      %gt3A_1529 = arith.cmpf ogt, %gt3A_1528, %get3A_1286 : vector<16xf32>
      %eq3A_1530 = vector.broadcast %reduce_sum3A_1527 : f32 to vector<16xf32>
      %eq3A_1531 = arith.cmpf oeq, %eq3A_1530, %get3A_1286 : vector<16xf32>
      %gt3A_1532 = arith.constant 9 : i32
      %gt3A_1533 = vector.broadcast %gt3A_1532 : i32 to vector<16xi32>
      %gt3A_1534 = arith.cmpi sgt, %iota3A, %gt3A_1533 : vector<16xi32>
      %and3A_1535 = arith.andi %eq3A_1531, %gt3A_1534 : vector<16xi1>
      %or3A_1536 = arith.ori %gt3A_1529, %and3A_1535 : vector<16xi1>
      %jit3A_1537 = arith.constant 1 : i32
      %jit3A_1538 = arith.constant 0 : i32
      %broadcast_in_dim3A_1539 = vector.broadcast %jit3A_1537 : i32 to vector<16xi32>
      %broadcast_in_dim3A_1540 = vector.broadcast %jit3A_1538 : i32 to vector<16xi32>
      %select_n3A_1541 = arith.select %or3A_1536, %broadcast_in_dim3A_1539, %broadcast_in_dim3A_1540 : vector<16xi1>, vector<16xi32>
      %add3A_1542 = arith.addi %add3A_1517, %select_n3A_1541 : vector<16xi32>
      %eq3A_1543 = arith.constant 10 : i32
      %eq3A_1544 = vector.broadcast %eq3A_1543 : i32 to vector<16xi32>
      %eq3A_1545 = arith.cmpi eq, %iota3A, %eq3A_1544 : vector<16xi32>
      %jit3A_1546 = arith.constant 0.000000e+00 : f32
      %broadcast_in_dim3A_1547 = vector.broadcast %jit3A_1546 : f32 to vector<16xf32>
      %select_n3A_1548 = arith.select %eq3A_1545, %get3A_1286, %broadcast_in_dim3A_1547 : vector<16xi1>, vector<16xf32>
      %reduce_sum3A_1549 = arith.constant true
      %reduce_sum3A_1550 = vector.broadcast %reduce_sum3A_1549 : i1 to vector<16xi1>
      %reduce_sum3A_1551 = tpu.scan <sum>, %select_n3A_1548 masked %reduce_sum3A_1550 : vector<16xf32>, vector<16xi1> -> vector<16xf32>
      %reduce_sum3A_1552 = vector.extract %reduce_sum3A_1551[15] : f32 from vector<16xf32>
      %gt3A_1553 = vector.broadcast %reduce_sum3A_1552 : f32 to vector<16xf32>
      %gt3A_1554 = arith.cmpf ogt, %gt3A_1553, %get3A_1286 : vector<16xf32>
      %eq3A_1555 = vector.broadcast %reduce_sum3A_1552 : f32 to vector<16xf32>
      %eq3A_1556 = arith.cmpf oeq, %eq3A_1555, %get3A_1286 : vector<16xf32>
      %gt3A_1557 = arith.constant 10 : i32
      %gt3A_1558 = vector.broadcast %gt3A_1557 : i32 to vector<16xi32>
      %gt3A_1559 = arith.cmpi sgt, %iota3A, %gt3A_1558 : vector<16xi32>
      %and3A_1560 = arith.andi %eq3A_1556, %gt3A_1559 : vector<16xi1>
      %or3A_1561 = arith.ori %gt3A_1554, %and3A_1560 : vector<16xi1>
      %jit3A_1562 = arith.constant 1 : i32
      %jit3A_1563 = arith.constant 0 : i32
      %broadcast_in_dim3A_1564 = vector.broadcast %jit3A_1562 : i32 to vector<16xi32>
      %broadcast_in_dim3A_1565 = vector.broadcast %jit3A_1563 : i32 to vector<16xi32>
      %select_n3A_1566 = arith.select %or3A_1561, %broadcast_in_dim3A_1564, %broadcast_in_dim3A_1565 : vector<16xi1>, vector<16xi32>
      %add3A_1567 = arith.addi %add3A_1542, %select_n3A_1566 : vector<16xi32>
      %eq3A_1568 = arith.constant 11 : i32
      %eq3A_1569 = vector.broadcast %eq3A_1568 : i32 to vector<16xi32>
      %eq3A_1570 = arith.cmpi eq, %iota3A, %eq3A_1569 : vector<16xi32>
      %jit3A_1571 = arith.constant 0.000000e+00 : f32
      %broadcast_in_dim3A_1572 = vector.broadcast %jit3A_1571 : f32 to vector<16xf32>
      %select_n3A_1573 = arith.select %eq3A_1570, %get3A_1286, %broadcast_in_dim3A_1572 : vector<16xi1>, vector<16xf32>
      %reduce_sum3A_1574 = arith.constant true
      %reduce_sum3A_1575 = vector.broadcast %reduce_sum3A_1574 : i1 to vector<16xi1>
      %reduce_sum3A_1576 = tpu.scan <sum>, %select_n3A_1573 masked %reduce_sum3A_1575 : vector<16xf32>, vector<16xi1> -> vector<16xf32>
      %reduce_sum3A_1577 = vector.extract %reduce_sum3A_1576[15] : f32 from vector<16xf32>
      %gt3A_1578 = vector.broadcast %reduce_sum3A_1577 : f32 to vector<16xf32>
      %gt3A_1579 = arith.cmpf ogt, %gt3A_1578, %get3A_1286 : vector<16xf32>
      %eq3A_1580 = vector.broadcast %reduce_sum3A_1577 : f32 to vector<16xf32>
      %eq3A_1581 = arith.cmpf oeq, %eq3A_1580, %get3A_1286 : vector<16xf32>
      %gt3A_1582 = arith.constant 11 : i32
      %gt3A_1583 = vector.broadcast %gt3A_1582 : i32 to vector<16xi32>
      %gt3A_1584 = arith.cmpi sgt, %iota3A, %gt3A_1583 : vector<16xi32>
      %and3A_1585 = arith.andi %eq3A_1581, %gt3A_1584 : vector<16xi1>
      %or3A_1586 = arith.ori %gt3A_1579, %and3A_1585 : vector<16xi1>
      %jit3A_1587 = arith.constant 1 : i32
      %jit3A_1588 = arith.constant 0 : i32
      %broadcast_in_dim3A_1589 = vector.broadcast %jit3A_1587 : i32 to vector<16xi32>
      %broadcast_in_dim3A_1590 = vector.broadcast %jit3A_1588 : i32 to vector<16xi32>
      %select_n3A_1591 = arith.select %or3A_1586, %broadcast_in_dim3A_1589, %broadcast_in_dim3A_1590 : vector<16xi1>, vector<16xi32>
      %add3A_1592 = arith.addi %add3A_1567, %select_n3A_1591 : vector<16xi32>
      %eq3A_1593 = arith.constant 12 : i32
      %eq3A_1594 = vector.broadcast %eq3A_1593 : i32 to vector<16xi32>
      %eq3A_1595 = arith.cmpi eq, %iota3A, %eq3A_1594 : vector<16xi32>
      %jit3A_1596 = arith.constant 0.000000e+00 : f32
      %broadcast_in_dim3A_1597 = vector.broadcast %jit3A_1596 : f32 to vector<16xf32>
      %select_n3A_1598 = arith.select %eq3A_1595, %get3A_1286, %broadcast_in_dim3A_1597 : vector<16xi1>, vector<16xf32>
      %reduce_sum3A_1599 = arith.constant true
      %reduce_sum3A_1600 = vector.broadcast %reduce_sum3A_1599 : i1 to vector<16xi1>
      %reduce_sum3A_1601 = tpu.scan <sum>, %select_n3A_1598 masked %reduce_sum3A_1600 : vector<16xf32>, vector<16xi1> -> vector<16xf32>
      %reduce_sum3A_1602 = vector.extract %reduce_sum3A_1601[15] : f32 from vector<16xf32>
      %gt3A_1603 = vector.broadcast %reduce_sum3A_1602 : f32 to vector<16xf32>
      %gt3A_1604 = arith.cmpf ogt, %gt3A_1603, %get3A_1286 : vector<16xf32>
      %eq3A_1605 = vector.broadcast %reduce_sum3A_1602 : f32 to vector<16xf32>
      %eq3A_1606 = arith.cmpf oeq, %eq3A_1605, %get3A_1286 : vector<16xf32>
      %gt3A_1607 = arith.constant 12 : i32
      %gt3A_1608 = vector.broadcast %gt3A_1607 : i32 to vector<16xi32>
      %gt3A_1609 = arith.cmpi sgt, %iota3A, %gt3A_1608 : vector<16xi32>
      %and3A_1610 = arith.andi %eq3A_1606, %gt3A_1609 : vector<16xi1>
      %or3A_1611 = arith.ori %gt3A_1604, %and3A_1610 : vector<16xi1>
      %jit3A_1612 = arith.constant 1 : i32
      %jit3A_1613 = arith.constant 0 : i32
      %broadcast_in_dim3A_1614 = vector.broadcast %jit3A_1612 : i32 to vector<16xi32>
      %broadcast_in_dim3A_1615 = vector.broadcast %jit3A_1613 : i32 to vector<16xi32>
      %select_n3A_1616 = arith.select %or3A_1611, %broadcast_in_dim3A_1614, %broadcast_in_dim3A_1615 : vector<16xi1>, vector<16xi32>
      %add3A_1617 = arith.addi %add3A_1592, %select_n3A_1616 : vector<16xi32>
      %eq3A_1618 = arith.constant 13 : i32
      %eq3A_1619 = vector.broadcast %eq3A_1618 : i32 to vector<16xi32>
      %eq3A_1620 = arith.cmpi eq, %iota3A, %eq3A_1619 : vector<16xi32>
      %jit3A_1621 = arith.constant 0.000000e+00 : f32
      %broadcast_in_dim3A_1622 = vector.broadcast %jit3A_1621 : f32 to vector<16xf32>
      %select_n3A_1623 = arith.select %eq3A_1620, %get3A_1286, %broadcast_in_dim3A_1622 : vector<16xi1>, vector<16xf32>
      %reduce_sum3A_1624 = arith.constant true
      %reduce_sum3A_1625 = vector.broadcast %reduce_sum3A_1624 : i1 to vector<16xi1>
      %reduce_sum3A_1626 = tpu.scan <sum>, %select_n3A_1623 masked %reduce_sum3A_1625 : vector<16xf32>, vector<16xi1> -> vector<16xf32>
      %reduce_sum3A_1627 = vector.extract %reduce_sum3A_1626[15] : f32 from vector<16xf32>
      %gt3A_1628 = vector.broadcast %reduce_sum3A_1627 : f32 to vector<16xf32>
      %gt3A_1629 = arith.cmpf ogt, %gt3A_1628, %get3A_1286 : vector<16xf32>
      %eq3A_1630 = vector.broadcast %reduce_sum3A_1627 : f32 to vector<16xf32>
      %eq3A_1631 = arith.cmpf oeq, %eq3A_1630, %get3A_1286 : vector<16xf32>
      %gt3A_1632 = arith.constant 13 : i32
      %gt3A_1633 = vector.broadcast %gt3A_1632 : i32 to vector<16xi32>
      %gt3A_1634 = arith.cmpi sgt, %iota3A, %gt3A_1633 : vector<16xi32>
      %and3A_1635 = arith.andi %eq3A_1631, %gt3A_1634 : vector<16xi1>
      %or3A_1636 = arith.ori %gt3A_1629, %and3A_1635 : vector<16xi1>
      %jit3A_1637 = arith.constant 1 : i32
      %jit3A_1638 = arith.constant 0 : i32
      %broadcast_in_dim3A_1639 = vector.broadcast %jit3A_1637 : i32 to vector<16xi32>
      %broadcast_in_dim3A_1640 = vector.broadcast %jit3A_1638 : i32 to vector<16xi32>
      %select_n3A_1641 = arith.select %or3A_1636, %broadcast_in_dim3A_1639, %broadcast_in_dim3A_1640 : vector<16xi1>, vector<16xi32>
      %add3A_1642 = arith.addi %add3A_1617, %select_n3A_1641 : vector<16xi32>
      %eq3A_1643 = arith.constant 14 : i32
      %eq3A_1644 = vector.broadcast %eq3A_1643 : i32 to vector<16xi32>
      %eq3A_1645 = arith.cmpi eq, %iota3A, %eq3A_1644 : vector<16xi32>
      %jit3A_1646 = arith.constant 0.000000e+00 : f32
      %broadcast_in_dim3A_1647 = vector.broadcast %jit3A_1646 : f32 to vector<16xf32>
      %select_n3A_1648 = arith.select %eq3A_1645, %get3A_1286, %broadcast_in_dim3A_1647 : vector<16xi1>, vector<16xf32>
      %reduce_sum3A_1649 = arith.constant true
      %reduce_sum3A_1650 = vector.broadcast %reduce_sum3A_1649 : i1 to vector<16xi1>
      %reduce_sum3A_1651 = tpu.scan <sum>, %select_n3A_1648 masked %reduce_sum3A_1650 : vector<16xf32>, vector<16xi1> -> vector<16xf32>
      %reduce_sum3A_1652 = vector.extract %reduce_sum3A_1651[15] : f32 from vector<16xf32>
      %gt3A_1653 = vector.broadcast %reduce_sum3A_1652 : f32 to vector<16xf32>
      %gt3A_1654 = arith.cmpf ogt, %gt3A_1653, %get3A_1286 : vector<16xf32>
      %eq3A_1655 = vector.broadcast %reduce_sum3A_1652 : f32 to vector<16xf32>
      %eq3A_1656 = arith.cmpf oeq, %eq3A_1655, %get3A_1286 : vector<16xf32>
      %gt3A_1657 = arith.constant 14 : i32
      %gt3A_1658 = vector.broadcast %gt3A_1657 : i32 to vector<16xi32>
      %gt3A_1659 = arith.cmpi sgt, %iota3A, %gt3A_1658 : vector<16xi32>
      %and3A_1660 = arith.andi %eq3A_1656, %gt3A_1659 : vector<16xi1>
      %or3A_1661 = arith.ori %gt3A_1654, %and3A_1660 : vector<16xi1>
      %jit3A_1662 = arith.constant 1 : i32
      %jit3A_1663 = arith.constant 0 : i32
      %broadcast_in_dim3A_1664 = vector.broadcast %jit3A_1662 : i32 to vector<16xi32>
      %broadcast_in_dim3A_1665 = vector.broadcast %jit3A_1663 : i32 to vector<16xi32>
      %select_n3A_1666 = arith.select %or3A_1661, %broadcast_in_dim3A_1664, %broadcast_in_dim3A_1665 : vector<16xi1>, vector<16xi32>
      %add3A_1667 = arith.addi %add3A_1642, %select_n3A_1666 : vector<16xi32>
      %eq3A_1668 = arith.constant 15 : i32
      %eq3A_1669 = vector.broadcast %eq3A_1668 : i32 to vector<16xi32>
      %eq3A_1670 = arith.cmpi eq, %iota3A, %eq3A_1669 : vector<16xi32>
      %jit3A_1671 = arith.constant 0.000000e+00 : f32
      %broadcast_in_dim3A_1672 = vector.broadcast %jit3A_1671 : f32 to vector<16xf32>
      %select_n3A_1673 = arith.select %eq3A_1670, %get3A_1286, %broadcast_in_dim3A_1672 : vector<16xi1>, vector<16xf32>
      %reduce_sum3A_1674 = arith.constant true
      %reduce_sum3A_1675 = vector.broadcast %reduce_sum3A_1674 : i1 to vector<16xi1>
      %reduce_sum3A_1676 = tpu.scan <sum>, %select_n3A_1673 masked %reduce_sum3A_1675 : vector<16xf32>, vector<16xi1> -> vector<16xf32>
      %reduce_sum3A_1677 = vector.extract %reduce_sum3A_1676[15] : f32 from vector<16xf32>
      %gt3A_1678 = vector.broadcast %reduce_sum3A_1677 : f32 to vector<16xf32>
      %gt3A_1679 = arith.cmpf ogt, %gt3A_1678, %get3A_1286 : vector<16xf32>
      %eq3A_1680 = vector.broadcast %reduce_sum3A_1677 : f32 to vector<16xf32>
      %eq3A_1681 = arith.cmpf oeq, %eq3A_1680, %get3A_1286 : vector<16xf32>
      %gt3A_1682 = arith.constant 15 : i32
      %gt3A_1683 = vector.broadcast %gt3A_1682 : i32 to vector<16xi32>
      %gt3A_1684 = arith.cmpi sgt, %iota3A, %gt3A_1683 : vector<16xi32>
      %and3A_1685 = arith.andi %eq3A_1681, %gt3A_1684 : vector<16xi1>
      %or3A_1686 = arith.ori %gt3A_1679, %and3A_1685 : vector<16xi1>
      %jit3A_1687 = arith.constant 1 : i32
      %jit3A_1688 = arith.constant 0 : i32
      %broadcast_in_dim3A_1689 = vector.broadcast %jit3A_1687 : i32 to vector<16xi32>
      %broadcast_in_dim3A_1690 = vector.broadcast %jit3A_1688 : i32 to vector<16xi32>
      %select_n3A_1691 = arith.select %or3A_1686, %broadcast_in_dim3A_1689, %broadcast_in_dim3A_1690 : vector<16xi1>, vector<16xi32>
      %add3A_1692 = arith.addi %add3A_1667, %select_n3A_1691 : vector<16xi32>
      %lt3A_1693 = arith.cmpi slt, %add3A_1692, %get3A_1290 : vector<16xi32>
      %jit3A_1694 = arith.constant 0.000000e+00 : f32
      %broadcast_in_dim3A_1695 = vector.broadcast %jit3A_1694 : f32 to vector<16xf32>
      %select_n3A_1696 = arith.select %lt3A_1693, %get3A_1286, %broadcast_in_dim3A_1695 : vector<16xi1>, vector<16xf32>
      %reduce_max3A_1697 = arith.constant true
      %reduce_max3A_1698 = vector.broadcast %reduce_max3A_1697 : i1 to vector<16xi1>
      %reduce_max3A_1699 = tpu.scan <max>, %select_n3A_1696 masked %reduce_max3A_1698 : vector<16xf32>, vector<16xi1> -> vector<16xf32>
      %reduce_max3A_1700 = vector.extract %reduce_max3A_1699[15] : f32 from vector<16xf32>
      %sub3A_1701 = vector.broadcast %reduce_max3A_1700 : f32 to vector<16xf32>
      %sub3A_1702 = arith.subf %select_n3A_1696, %sub3A_1701 : vector<16xf32>
      %exp3A_1703 = math.exp %sub3A_1702 : vector<16xf32>
      %reduce_sum3A_1704 = arith.constant true
      %reduce_sum3A_1705 = vector.broadcast %reduce_sum3A_1704 : i1 to vector<16xi1>
      %reduce_sum3A_1706 = tpu.scan <sum>, %exp3A_1703 masked %reduce_sum3A_1705 : vector<16xf32>, vector<16xi1> -> vector<16xf32>
      %reduce_sum3A_1707 = vector.extract %reduce_sum3A_1706[15] : f32 from vector<16xf32>
      %div3A_1708 = vector.broadcast %reduce_sum3A_1707 : f32 to vector<16xf32>
      %div3A_1709 = arith.divf %exp3A_1703, %div3A_1708 : vector<16xf32>
      %swap3A_1710 = arith.constant 3 : i32
      %swap3A_1711 = arith.index_cast %swap3A_1710 : i32 to index
      %swap3A_1712 = arith.constant 0 : index
      %swap3A_1713 = tpu.vector_load %arg7[%swap3A_1711, %swap3A_1712] {strides = array<i32>} : memref<4x16xf32, #tpu.memory_space<vmem>>, vector<16xf32>,
      tpu.vector_store %arg7[%swap3A_1711, %swap3A_1712], %div3A_1709 {strides = array<i32>} : memref<4x16xf32, #tpu.memory_space<vmem>>, vector<16xf32>,
      "tpu.region"() ({
        %run_scoped3A = tpu.sem_alloc : memref<!tpu.dma_semaphore, #tpu.memory_space<semaphore_mem>>
        tpu.enqueue_dma source(%arg7 : memref<4x16xf32, #tpu.memory_space<vmem>>) target(%arg4 : memref<4x16xf32, #tpu.memory_space<hbm>>) target_semaphore(%run_scoped3A : memref<!tpu.dma_semaphore, #tpu.memory_space<semaphore_mem>>)
        tpu.wait_dma2 semaphore(%run_scoped3A : memref<!tpu.dma_semaphore, #tpu.memory_space<semaphore_mem>>) src(%arg7 : memref<4x16xf32, #tpu.memory_space<vmem>>) dst(%arg4 : memref<4x16xf32, #tpu.memory_space<hbm>>)
        tpu.yield
      }) : () -> ()
    } else {
    }
    return
  }
}

module attributes {stable_mosaic.version = 14 : i64} {
  func.func @_mean_router_body(%arg0: i32, %arg1: i32, %arg2: memref<1x4x1024x512xf32, #tpu.memory_space<vmem>>, %arg3: memref<16x1024xf32, #tpu.memory_space<vmem>>, %arg4: memref<1x16xf32, #tpu.memory_space<vmem>>, %arg5: memref<16x1024xf32, #tpu.memory_space<vmem>>, %arg6: memref<1x16xf32, #tpu.memory_space<vmem>>, %arg7: memref<1x1x16xf32, #tpu.memory_space<vmem>>, %arg8: memref<1x1x16xf32, #tpu.memory_space<vmem>>, %arg9: memref<1x1xf32, #tpu.memory_space<smem>>, %arg10: memref<1x1024xf32, #tpu.memory_space<vmem>>, %arg11: memref<1x1xf32, #tpu.memory_space<smem>>) attributes {dimension_semantics = [#tpu.dimension_semantics<arbitrary>, #tpu.dimension_semantics<arbitrary>], iteration_bounds = array<i64: 4, 4>, scalar_prefetch = 0 : i64, scratch_operands = 2 : i64, tpu.core_type = #tpu.core_type<tc>, window_params = [{transform_indices = @transform_0, window_bounds = array<i64: 1, 4, 1024, 512>}, {pipeline_mode = #tpu.pipeline_mode<synchronous>, transform_indices = @transform_1, window_bounds = array<i64: 16, 1024>}, {pipeline_mode = #tpu.pipeline_mode<synchronous>, transform_indices = @transform_2, window_bounds = array<i64: 1, 16>}, {pipeline_mode = #tpu.pipeline_mode<synchronous>, transform_indices = @transform_3, window_bounds = array<i64: 16, 1024>}, {pipeline_mode = #tpu.pipeline_mode<synchronous>, transform_indices = @transform_4, window_bounds = array<i64: 1, 16>}, {transform_indices = @transform_5, window_bounds = array<i64: 1, 1, 16>}, {transform_indices = @transform_6, window_bounds = array<i64: 1, 1, 16>}, {transform_indices = @transform_7, window_bounds = array<i64: 1, 1>}]} {
    %get3A = arith.constant 0 : index
    %get3A_0 = arith.constant 0 : index
    %get3A_1 = arith.constant 0 : index
    %get3A_2 = arith.constant 0 : index
    %get3A_3 = vector.load %arg2[%get3A, %get3A_0, %get3A_1, %get3A_2] : memref<1x4x1024x512xf32, #tpu.memory_space<vmem>>, vector<1x4x1024x512xf32>
    %get3A_4 = vector.shape_cast %get3A_3 : vector<1x4x1024x512xf32> to vector<4x1024x512xf32>
    %reduce_sum3A = arith.constant dense<0.000000e+00> : vector<4x1024xf32>
    %reduce_sum3A_5 = vector.multi_reduction <add>, %get3A_4, %reduce_sum3A [2] : vector<4x1024x512xf32> to vector<4x1024xf32>
    %reduce_sum3A_6 = arith.constant dense<0.000000e+00> : vector<1024xf32>
    %reduce_sum3A_7 = vector.multi_reduction <add>, %reduce_sum3A_5, %reduce_sum3A_6 [0] : vector<4x1024xf32> to vector<1024xf32>
    %broadcast_in_dim3A = vector.shape_cast %reduce_sum3A_7 : vector<1024xf32> to vector<1x1024xf32>
    %eq3A = arith.constant 0 : i32
    %eq3A_8 = arith.cmpi eq, %arg1, %eq3A : i32
    %convert_element_type3A = arith.extui %eq3A_8 : i1 to i32
    %cond3A = arith.constant 0 : i32
    %cond3A_9 = arith.cmpi ne, %convert_element_type3A, %cond3A : i32
    scf.if %cond3A_9 {
      %swap3A = arith.constant 0 : index
      %swap3A_19 = arith.constant 0 : index
      %swap3A_20 = vector.load %arg10[%swap3A, %swap3A_19] : memref<1x1024xf32, #tpu.memory_space<vmem>>, vector<1x1024xf32>
      tpu.vector_store %arg10[%swap3A, %swap3A_19], %broadcast_in_dim3A {strides = array<i32>} : memref<1x1024xf32, #tpu.memory_space<vmem>>, vector<1x1024xf32>,
    } else {
    }
    %ne3A = arith.constant 0 : i32
    %ne3A_10 = arith.cmpi ne, %arg1, %ne3A : i32
    %convert_element_type3A_11 = arith.extui %ne3A_10 : i1 to i32
    %cond3A_12 = arith.constant 0 : i32
    %cond3A_13 = arith.cmpi ne, %convert_element_type3A_11, %cond3A_12 : i32
    scf.if %cond3A_13 {
      %get3A_19 = arith.constant 0 : index
      %get3A_20 = arith.constant 0 : index
      %get3A_21 = vector.load %arg10[%get3A_19, %get3A_20] : memref<1x1024xf32, #tpu.memory_space<vmem>>, vector<1x1024xf32>
      %add3A = arith.addf %get3A_21, %broadcast_in_dim3A : vector<1x1024xf32>
      %swap3A = arith.constant 0 : index
      %swap3A_22 = arith.constant 0 : index
      %swap3A_23 = vector.load %arg10[%swap3A, %swap3A_22] : memref<1x1024xf32, #tpu.memory_space<vmem>>, vector<1x1024xf32>
      tpu.vector_store %arg10[%swap3A, %swap3A_22], %add3A {strides = array<i32>} : memref<1x1024xf32, #tpu.memory_space<vmem>>, vector<1x1024xf32>,
    } else {
    }
    %eq3A_14 = arith.constant 3 : i32
    %eq3A_15 = arith.cmpi eq, %arg1, %eq3A_14 : i32
    %convert_element_type3A_16 = arith.extui %eq3A_15 : i1 to i32
    %cond3A_17 = arith.constant 0 : i32
    %cond3A_18 = arith.cmpi ne, %convert_element_type3A_16, %cond3A_17 : i32
    scf.if %cond3A_18 {
      %get3A_19 = arith.constant 0 : index
      %get3A_20 = arith.constant 0 : index
      %get3A_21 = vector.load %arg10[%get3A_19, %get3A_20] : memref<1x1024xf32, #tpu.memory_space<vmem>>, vector<1x1024xf32>
      %mul3A = arith.constant 1.22070313E-4 : f32
      %mul3A_22 = vector.broadcast %mul3A : f32 to vector<1x1024xf32>
      %mul3A_23 = arith.mulf %get3A_21, %mul3A_22 : vector<1x1024xf32>
      %get3A_24 = arith.constant 0 : index
      %get3A_25 = arith.constant 0 : index
      %get3A_26 = vector.load %arg3[%get3A_24, %get3A_25] : memref<16x1024xf32, #tpu.memory_space<vmem>>, vector<16x1024xf32>
      %dot_general3A = arith.constant dense<0.000000e+00> : vector<1x16xf32>
      %dot_general3A_27 = tpu.matmul %mul3A_23, %get3A_26, %dot_general3A {dimension_numbers = #tpu.dot_dimension_numbers<[1], [1], [0], [0], [0, 0, 1, 0], [], []>, transpose_lhs_hint = false} : vector<1x1024xf32>, vector<16x1024xf32>, vector<1x16xf32> -> vector<1x16xf32>
      %get3A_28 = arith.constant 0 : index
      %get3A_29 = arith.constant 0 : index
      %get3A_30 = vector.load %arg4[%get3A_28, %get3A_29] : memref<1x16xf32, #tpu.memory_space<vmem>>, vector<1x16xf32>
      %add3A = arith.addf %dot_general3A_27, %get3A_30 : vector<1x16xf32>
      %get3A_31 = arith.constant 0 : index
      %get3A_32 = arith.constant 0 : index
      %get3A_33 = vector.load %arg5[%get3A_31, %get3A_32] : memref<16x1024xf32, #tpu.memory_space<vmem>>, vector<16x1024xf32>
      %dot_general3A_34 = arith.constant dense<0.000000e+00> : vector<1x16xf32>
      %dot_general3A_35 = tpu.matmul %mul3A_23, %get3A_33, %dot_general3A_34 {dimension_numbers = #tpu.dot_dimension_numbers<[1], [1], [0], [0], [0, 0, 1, 0], [], []>, transpose_lhs_hint = false} : vector<1x1024xf32>, vector<16x1024xf32>, vector<1x16xf32> -> vector<1x16xf32>
      %get3A_36 = arith.constant 0 : index
      %get3A_37 = arith.constant 0 : index
      %get3A_38 = vector.load %arg6[%get3A_36, %get3A_37] : memref<1x16xf32, #tpu.memory_space<vmem>>, vector<1x16xf32>
      %add3A_39 = arith.addf %dot_general3A_35, %get3A_38 : vector<1x16xf32>
      %reduce_max3A = arith.constant dense<0xFF800000> : vector<1xf32>
      %reduce_max3A_40 = vector.multi_reduction <maximumf>, %add3A, %reduce_max3A [1] : vector<1x16xf32> to vector<1xf32>
      %max3A = arith.constant 0xFF800000 : f32
      %max3A_41 = vector.broadcast %max3A : f32 to vector<1xf32>
      %max3A_42 = arith.maximumf %max3A_41, %reduce_max3A_40 : vector<1xf32>
      %broadcast_in_dim3A_43 = vector.shape_cast %max3A_42 : vector<1xf32> to vector<1x1xf32>
      %sub3A = vector.broadcast %broadcast_in_dim3A_43 : vector<1x1xf32> to vector<1x16xf32>
      %sub3A_44 = arith.subf %add3A, %sub3A : vector<1x16xf32>
      %exp3A = math.exp %sub3A_44 : vector<1x16xf32>
      %reduce_sum3A_45 = arith.constant dense<0.000000e+00> : vector<1xf32>
      %reduce_sum3A_46 = vector.multi_reduction <add>, %exp3A, %reduce_sum3A_45 [1] : vector<1x16xf32> to vector<1xf32>
      %broadcast_in_dim3A_47 = vector.shape_cast %reduce_sum3A_46 : vector<1xf32> to vector<1x1xf32>
      %div3A = vector.broadcast %broadcast_in_dim3A_47 : vector<1x1xf32> to vector<1x16xf32>
      %div3A_48 = arith.divf %exp3A, %div3A : vector<1x16xf32>
      %custom_jvp_call3A = arith.constant 0.000000e+00 : f32
      %max3A_49 = vector.broadcast %custom_jvp_call3A : f32 to vector<1x16xf32>
      %max3A_50 = arith.maximumf %add3A_39, %max3A_49 : vector<1x16xf32>
      %sub3A_51 = vector.broadcast %custom_jvp_call3A : f32 to vector<1x16xf32>
      %sub3A_52 = arith.subf %add3A_39, %sub3A_51 : vector<1x16xf32>
      %ne3A_53 = arith.cmpf one, %sub3A_52, %sub3A_52 : vector<1x16xf32>
      %add3A_54 = vector.broadcast %custom_jvp_call3A : f32 to vector<1x16xf32>
      %add3A_55 = arith.addf %add3A_39, %add3A_54 : vector<1x16xf32>
      %abs3A = math.absf %sub3A_52 : vector<1x16xf32>
      %neg3A = arith.constant 0.000000e+00 : f32
      %neg3A_56 = vector.broadcast %neg3A : f32 to vector<1x16xf32>
      %neg3A_57 = arith.subf %neg3A_56, %abs3A : vector<1x16xf32>
      %exp3A_58 = math.exp %neg3A_57 : vector<1x16xf32>
      %log1p3A = math.log1p %exp3A_58 : vector<1x16xf32>
      %add3A_59 = arith.addf %max3A_50, %log1p3A : vector<1x16xf32>
      %select_n3A = arith.select %ne3A_53, %add3A_55, %add3A_59 : vector<1x16xi1>, vector<1x16xf32>
      %get3A_60 = arith.constant 0 : index
      %get3A_61 = arith.constant 0 : index
      %get3A_62 = arith.constant 0 : index
      %get3A_63 = vector.load %arg7[%get3A_60, %get3A_61, %get3A_62] : memref<1x1x16xf32, #tpu.memory_space<vmem>>, vector<1x1x16xf32>
      %get3A_64 = vector.shape_cast %get3A_63 : vector<1x1x16xf32> to vector<1x16xf32>
      %mul3A_65 = arith.mulf %get3A_64, %select_n3A : vector<1x16xf32>
      %reduce_max3A_66 = arith.constant dense<0xFF800000> : vector<1xf32>
      %reduce_max3A_67 = vector.multi_reduction <maximumf>, %mul3A_65, %reduce_max3A_66 [1] : vector<1x16xf32> to vector<1xf32>
      %max3A_68 = arith.constant 0xFF800000 : f32
      %max3A_69 = vector.broadcast %max3A_68 : f32 to vector<1xf32>
      %max3A_70 = arith.maximumf %max3A_69, %reduce_max3A_67 : vector<1xf32>
      %broadcast_in_dim3A_71 = vector.shape_cast %max3A_70 : vector<1xf32> to vector<1x1xf32>
      %sub3A_72 = vector.broadcast %broadcast_in_dim3A_71 : vector<1x1xf32> to vector<1x16xf32>
      %sub3A_73 = arith.subf %mul3A_65, %sub3A_72 : vector<1x16xf32>
      %exp3A_74 = math.exp %sub3A_73 : vector<1x16xf32>
      %reduce_sum3A_75 = arith.constant dense<0.000000e+00> : vector<1xf32>
      %reduce_sum3A_76 = vector.multi_reduction <add>, %exp3A_74, %reduce_sum3A_75 [1] : vector<1x16xf32> to vector<1xf32>
      %broadcast_in_dim3A_77 = vector.shape_cast %reduce_sum3A_76 : vector<1xf32> to vector<1x1xf32>
      %div3A_78 = vector.broadcast %broadcast_in_dim3A_77 : vector<1x1xf32> to vector<1x16xf32>
      %div3A_79 = arith.divf %exp3A_74, %div3A_78 : vector<1x16xf32>
      %add3A_80 = arith.addf %div3A_48, %div3A_79 : vector<1x16xf32>
      %swap3A = arith.constant 0 : index
      %swap3A_81 = arith.constant 0 : index
      %swap3A_82 = arith.constant 0 : index
      %swap3A_83 = vector.load %arg8[%swap3A, %swap3A_81, %swap3A_82] : memref<1x1x16xf32, #tpu.memory_space<vmem>>, vector<1x1x16xf32>
      %swap3A_84 = vector.shape_cast %swap3A_83 : vector<1x1x16xf32> to vector<1x16xf32>
      %swap3A_85 = vector.shape_cast %add3A_80 : vector<1x16xf32> to vector<1x1x16xf32>
      tpu.vector_store %arg8[%swap3A, %swap3A_81, %swap3A_82], %swap3A_85 {strides = array<i32>} : memref<1x1x16xf32, #tpu.memory_space<vmem>>, vector<1x1x16xf32>,
      %exp3A_86 = math.exp %add3A_80 : vector<1x16xf32>
      %reduce_sum3A_87 = vector.shape_cast %exp3A_86 : vector<1x16xf32> to vector<1x1x16xf32>
      %reduce_sum3A_88 = arith.constant dense<0.000000e+00> : vector<1xf32>
      %reduce_sum3A_89 = vector.multi_reduction <add>, %reduce_sum3A_87, %reduce_sum3A_88 [1, 2] : vector<1x1x16xf32> to vector<1xf32>
      %reduce_sum3A_90 = vector.shape_cast %reduce_sum3A_89 : vector<1xf32> to vector<1x1x1xf32>
      %reduce_sum3A_91 = vector.extract %reduce_sum3A_90[0, 0, 0] : f32 from vector<1x1x1xf32>
      %log3A = math.log %reduce_sum3A_91 : f32
      %integer_pow3A = arith.mulf %log3A, %log3A : f32
      %eq3A_92 = arith.constant 0 : i32
      %eq3A_93 = arith.cmpi eq, %arg0, %eq3A_92 : i32
      %convert_element_type3A_94 = arith.extui %eq3A_93 : i1 to i32
      %cond3A_95 = arith.constant 0 : i32
      %cond3A_96 = arith.cmpi ne, %convert_element_type3A_94, %cond3A_95 : i32
      scf.if %cond3A_96 {
        %swap3A_107 = arith.constant 0 : index
        %swap3A_108 = arith.constant 0 : index
        %swap3A_109 = memref.load %arg11[%swap3A_107, %swap3A_108] : memref<1x1xf32, #tpu.memory_space<smem>>
        memref.store %integer_pow3A, %arg11[%swap3A_107, %swap3A_108] : memref<1x1xf32, #tpu.memory_space<smem>>
      } else {
      }
      %ne3A_97 = arith.constant 0 : i32
      %ne3A_98 = arith.cmpi ne, %arg0, %ne3A_97 : i32
      %convert_element_type3A_99 = arith.extui %ne3A_98 : i1 to i32
      %cond3A_100 = arith.constant 0 : i32
      %cond3A_101 = arith.cmpi ne, %convert_element_type3A_99, %cond3A_100 : i32
      scf.if %cond3A_101 {
        %get3A_107 = arith.constant 0 : index
        %get3A_108 = arith.constant 0 : index
        %get3A_109 = memref.load %arg11[%get3A_107, %get3A_108] : memref<1x1xf32, #tpu.memory_space<smem>>
        %add3A_110 = arith.addf %get3A_109, %integer_pow3A : f32
        %swap3A_111 = arith.constant 0 : index
        %swap3A_112 = arith.constant 0 : index
        %swap3A_113 = memref.load %arg11[%swap3A_111, %swap3A_112] : memref<1x1xf32, #tpu.memory_space<smem>>
        memref.store %add3A_110, %arg11[%swap3A_111, %swap3A_112] : memref<1x1xf32, #tpu.memory_space<smem>>
      } else {
      }
      %eq3A_102 = arith.constant 3 : i32
      %eq3A_103 = arith.cmpi eq, %arg0, %eq3A_102 : i32
      %convert_element_type3A_104 = arith.extui %eq3A_103 : i1 to i32
      %cond3A_105 = arith.constant 0 : i32
      %cond3A_106 = arith.cmpi ne, %convert_element_type3A_104, %cond3A_105 : i32
      scf.if %cond3A_106 {
        %get3A_107 = arith.constant 0 : index
        %get3A_108 = arith.constant 0 : index
        %get3A_109 = memref.load %arg11[%get3A_107, %get3A_108] : memref<1x1xf32, #tpu.memory_space<smem>>
        %mul3A_110 = arith.constant 2.500000e-01 : f32
        %mul3A_111 = arith.mulf %get3A_109, %mul3A_110 : f32
        %swap3A_112 = arith.constant 0 : index
        %swap3A_113 = arith.constant 0 : index
        %swap3A_114 = memref.load %arg9[%swap3A_112, %swap3A_113] : memref<1x1xf32, #tpu.memory_space<smem>>
        memref.store %mul3A_111, %arg9[%swap3A_112, %swap3A_113] : memref<1x1xf32, #tpu.memory_space<smem>>
      } else {
      }
    } else {
    }
    return
  }
  func.func @transform_0(%arg0: i32, %arg1: i32) -> (i32, i32, i32, i32) {
    %c0_i32 = arith.constant 0 : i32
    %c0_i32_0 = arith.constant 0 : i32
    %c0_i32_1 = arith.constant 0 : i32
    return %arg0, %c0_i32, %c0_i32_0, %arg1 : i32, i32, i32, i32
  }
  func.func @transform_1(%arg0: i32, %arg1: i32) -> (i32, i32) {
    %c0_i32 = arith.constant 0 : i32
    %c0_i32_0 = arith.constant 0 : i32
    %c0_i32_1 = arith.constant 0 : i32
    return %c0_i32, %c0_i32_0 : i32, i32
  }
  func.func @transform_2(%arg0: i32, %arg1: i32) -> (i32, i32) {
    %c0_i32 = arith.constant 0 : i32
    %c0_i32_0 = arith.constant 0 : i32
    %c0_i32_1 = arith.constant 0 : i32
    return %c0_i32, %c0_i32_0 : i32, i32
  }
  func.func @transform_3(%arg0: i32, %arg1: i32) -> (i32, i32) {
    %c0_i32 = arith.constant 0 : i32
    %c0_i32_0 = arith.constant 0 : i32
    %c0_i32_1 = arith.constant 0 : i32
    return %c0_i32, %c0_i32_0 : i32, i32
  }
  func.func @transform_4(%arg0: i32, %arg1: i32) -> (i32, i32) {
    %c0_i32 = arith.constant 0 : i32
    %c0_i32_0 = arith.constant 0 : i32
    %c0_i32_1 = arith.constant 0 : i32
    return %c0_i32, %c0_i32_0 : i32, i32
  }
  func.func @transform_5(%arg0: i32, %arg1: i32) -> (i32, i32, i32) {
    %c0_i32 = arith.constant 0 : i32
    %c0_i32_0 = arith.constant 0 : i32
    %c0_i32_1 = arith.constant 0 : i32
    return %arg0, %c0_i32, %c0_i32_0 : i32, i32, i32
  }
  func.func @transform_6(%arg0: i32, %arg1: i32) -> (i32, i32, i32) {
    %c0_i32 = arith.constant 0 : i32
    %c0_i32_0 = arith.constant 0 : i32
    %c0_i32_1 = arith.constant 0 : i32
    return %arg0, %c0_i32, %c0_i32_0 : i32, i32, i32
  }
  func.func @transform_7(%arg0: i32, %arg1: i32) -> (i32, i32) {
    %c0_i32 = arith.constant 0 : i32
    %c0_i32_0 = arith.constant 0 : i32
    %c0_i32_1 = arith.constant 0 : i32
    return %c0_i32, %c0_i32_0 : i32, i32
  }
}

module attributes {stable_mosaic.version = 14 : i64} {
  func.func @_proj_body(%arg0: i32, %arg1: i32, %arg2: memref<1x1x16xf32, #tpu.memory_space<vmem>>, %arg3: memref<16x1x16x1024xf32, #tpu.memory_space<vmem>>, %arg4: memref<1x1x1024x2048xf32, #tpu.memory_space<vmem>>, %arg5: memref<1x1x16x2048xf32, #tpu.memory_space<vmem>>) attributes {dimension_semantics = [#tpu.dimension_semantics<arbitrary>, #tpu.dimension_semantics<arbitrary>], iteration_bounds = array<i64: 4, 4>, scalar_prefetch = 0 : i64, scratch_operands = 0 : i64, tpu.core_type = #tpu.core_type<tc>, window_params = [{transform_indices = @transform_0, window_bounds = array<i64: 1, 1, 16>}, {transform_indices = @transform_1, window_bounds = array<i64: 16, 1, 16, 1024>}, {transform_indices = @transform_2, window_bounds = array<i64: 1, 1, 1024, 2048>}, {transform_indices = @transform_3, window_bounds = array<i64: 1, 1, 16, 2048>}]} {
    %get3A = arith.constant 0 : index
    %get3A_0 = arith.constant 0 : index
    %get3A_1 = arith.constant 0 : index
    %get3A_2 = vector.load %arg2[%get3A, %get3A_0, %get3A_1] : memref<1x1x16xf32, #tpu.memory_space<vmem>>, vector<1x1x16xf32>
    %get3A_3 = vector.shape_cast %get3A_2 : vector<1x1x16xf32> to vector<16xf32>
    %get3A_4 = arith.constant 0 : index
    %get3A_5 = arith.constant 0 : index
    %get3A_6 = arith.constant 0 : index
    %get3A_7 = arith.constant 0 : index
    %get3A_8 = vector.load %arg3[%get3A_4, %get3A_5, %get3A_6, %get3A_7] : memref<16x1x16x1024xf32, #tpu.memory_space<vmem>>, vector<16x1x16x1024xf32>
    %get3A_9 = vector.shape_cast %get3A_8 : vector<16x1x16x1024xf32> to vector<16x16x1024xf32>
    %broadcast_in_dim3A = vector.shape_cast %get3A_3 : vector<16xf32> to vector<16x1x1xf32>
    %mul3A = vector.broadcast %broadcast_in_dim3A : vector<16x1x1xf32> to vector<16x16x1024xf32>
    %mul3A_10 = arith.mulf %mul3A, %get3A_9 : vector<16x16x1024xf32>
    %reduce_sum3A = arith.constant dense<0.000000e+00> : vector<16x1024xf32>
    %reduce_sum3A_11 = vector.multi_reduction <add>, %mul3A_10, %reduce_sum3A [0] : vector<16x16x1024xf32> to vector<16x1024xf32>
    %get3A_12 = arith.constant 0 : index
    %get3A_13 = arith.constant 0 : index
    %get3A_14 = arith.constant 0 : index
    %get3A_15 = arith.constant 0 : index
    %get3A_16 = vector.load %arg4[%get3A_12, %get3A_13, %get3A_14, %get3A_15] : memref<1x1x1024x2048xf32, #tpu.memory_space<vmem>>, vector<1x1x1024x2048xf32>
    %get3A_17 = vector.shape_cast %get3A_16 : vector<1x1x1024x2048xf32> to vector<1024x2048xf32>
    %dot_general3A = arith.constant dense<0.000000e+00> : vector<16x2048xf32>
    %dot_general3A_18 = tpu.matmul %reduce_sum3A_11, %get3A_17, %dot_general3A {dimension_numbers = #tpu.dot_dimension_numbers<[1], [0], [0], [1], [0, 0, 1, 1], [], []>, transpose_lhs_hint = false} : vector<16x1024xf32>, vector<1024x2048xf32>, vector<16x2048xf32> -> vector<16x2048xf32>
    %swap3A = arith.constant 0 : index
    %swap3A_19 = arith.constant 0 : index
    %swap3A_20 = arith.constant 0 : index
    %swap3A_21 = arith.constant 0 : index
    %swap3A_22 = vector.load %arg5[%swap3A, %swap3A_19, %swap3A_20, %swap3A_21] : memref<1x1x16x2048xf32, #tpu.memory_space<vmem>>, vector<1x1x16x2048xf32>
    %swap3A_23 = vector.shape_cast %swap3A_22 : vector<1x1x16x2048xf32> to vector<16x2048xf32>
    %swap3A_24 = vector.shape_cast %dot_general3A_18 : vector<16x2048xf32> to vector<1x1x16x2048xf32>
    tpu.vector_store %arg5[%swap3A, %swap3A_19, %swap3A_20, %swap3A_21], %swap3A_24 {strides = array<i32>} : memref<1x1x16x2048xf32, #tpu.memory_space<vmem>>, vector<1x1x16x2048xf32>,
    return
  }
  func.func @transform_0(%arg0: i32, %arg1: i32) -> (i32, i32, i32) {
    %c0_i32 = arith.constant 0 : i32
    %c0_i32_0 = arith.constant 0 : i32
    %c0_i32_1 = arith.constant 0 : i32
    return %arg0, %c0_i32, %c0_i32_0 : i32, i32, i32
  }
  func.func @transform_1(%arg0: i32, %arg1: i32) -> (i32, i32, i32, i32) {
    %c0_i32 = arith.constant 0 : i32
    %c0_i32_0 = arith.constant 0 : i32
    %c0_i32_1 = arith.constant 0 : i32
    %c0_i32_2 = arith.constant 0 : i32
    return %c0_i32, %arg1, %c0_i32_0, %c0_i32_1 : i32, i32, i32, i32
  }
  func.func @transform_2(%arg0: i32, %arg1: i32) -> (i32, i32, i32, i32) {
    %c0_i32 = arith.constant 0 : i32
    %c0_i32_0 = arith.constant 0 : i32
    %c0_i32_1 = arith.constant 0 : i32
    return %arg0, %arg1, %c0_i32, %c0_i32_0 : i32, i32, i32, i32
  }
  func.func @transform_3(%arg0: i32, %arg1: i32) -> (i32, i32, i32, i32) {
    %c0_i32 = arith.constant 0 : i32
    %c0_i32_0 = arith.constant 0 : i32
    %c0_i32_1 = arith.constant 0 : i32
    return %arg0, %arg1, %c0_i32, %c0_i32_0 : i32, i32, i32, i32
  }
}

</mosaic_0001>

<sc_bundles>
// kernel: kernel.5.cloned.1.call-start
scs
__scs_entry_jumppad:
0x0: {  	(pc) =	sbr.rel $0x88, $3  }
0x1: {  	(tag) =	ssettag $0x0;
	lr =	simm.s32 $0x1  }
0x2: {  	[smem:$0x3F99] =	sst lr;
	_ =	strace $0xD0000000  }
0x3: {  	_ = 	snop  }
0x4: {  	_ = 	snop  }
0x5: {  	_ = 	snop  }
0x6: {  	_ = 	snop  }
0x7: {  	_ = 	snop  }
__scs_overlays_trampoline_lowered:
0x8: {  	[smem:$0x3FA8] =	sst s0  }
0x9: {  	[smem:$0x3FA9] =	sst s1  }
0xa: {  	[smem:$0x3FAA] =	sst s2  }
0xb: {  	[smem:$0x3FAB] =	sst s3  }
0xc: {  	[smem:$0x3FAC] =	sst s4  }
0xd: {  	[smem:$0x3FAD] =	sst s5  }
0xe: {  	[smem:$0x3FAE] =	sst s6  }
0xf: {  	[smem:$0x3FAF] =	sst s7  }
0x10: {  	[smem:$0x3FB0] =	sst s8  }
0x11: {  	[smem:$0x3FB1] =	sst s9;
	s0 =	simm.s32 @!p0 $0x0  }
0x12: {  	s1 =	sld [smem:$0x3F97];
	s0 =	simm.s32 @p0 $0x1  }
0x13: {  	[smem:$0x3FB2] =	sst s0;
	s0 =	simm.s32 @!p1 $0x0  }
0x14: {  	s2 =	sld [smem:$0x3F96];
	s0 =	simm.s32 @p1 $0x1  }
0x15: {  	[smem:$0x3FB3] =	sst s0;
	s0 =	simm.s32 @!p2 $0x0  }
0x16: {  	s3 =	sld [smem:$0x3FDB];
	s0 =	simm.s32 @p2 $0x1  }
0x17: {  	s4 =	simm.s32 $0x1BF5;
	[smem:$0x3FB5] =	sst s0  }
0x18: {  	s0 =	sld [smem:$0x3F98];
	_ =	swait.ge [sflag:s4], $0x0  }
0x19: {  	s7 =	sld [smem:$0x3F99]  }
0x1a: {  	s8 =	sadd.s32 $0xFFFFE003, lr  }
0x1b: {  	s9 =	sadd.s32 $0xFFFFFEF7, lr;
	s5 =	simm.s32 $0xFFFFFFFF;
	p2 =	slt.u32 s8, $0xFFFFF086  }
0x1c: {  	p1 =	slt.u32 s9, $0xF7A;
	s5 =	simm.s32 @!p2 $0x0  }
0x1d: {  	s5 =	simm.s32 @p1 $0x1;
	p0 =	seq.s32 s7, s2  }
0x1e: {  	s7 =	smul.u32 @!p0 $0xF7A, s2;
	p2 =	seq.s32 @!p0 s5, $0x0  }
0x1f: {  	s9 =	smul.u32 $0xF7A, s1;
	s8 =	simm.s32 @!p0 $0x1BF5;
	p2 =	por !p2, p0  }
0x20: {  	[sflag:s8] =	ssyncset.s32 @!p0 $0xFFFFF086;
	s6 =	sadd.s32 @!p0 s3, s7;
	s7 =	simm.s32 @!p0 $0x108  }
0x21: {  	s3 =	sadd.s32 s3, s9;
	s6 =	sadd.s32 @!p0 $0x88, s6;
	s7 =	simm.s32 @p2 $0x1082  }
0x22: {  	[simem:s7], [sflag:s8] =	dma.local @!p0 [hbm:s6], $0xF7A  }
0x23: {  	s9 =	sor.u32 $0xD0000000, s2;
	s6 =	simm.s32 $0x108;
	_ =	swait.ge @!p0 [sflag:s8], $0x0  }
0x24: {  	s3 =	sadd.s32 $0x88, s3;
	s6 =	simm.s32 @!p1 $0x1082;
	[sflag:s4] =	ssyncset.s32 $0xFFFFF086  }
0x25: {  	[simem:s6], [sflag:s4] =	dma.local [hbm:s3], $0xF7A  }
0x26: {  	[smem:$0x3F99] =	sst s1;
	(tag) =	ssettag s2;
	_ =	strace s9  }
0x27: {  	s1 =	sld [smem:$0x3FA9]  }
0x28: {  	s2 =	sld [smem:$0x3FAA]  }
0x29: {  	s4 =	sld [smem:$0x3FAC]  }
0x2a: {  	p0 =	seq.s32 s5, $0x0;
	s5 =	sld [smem:$0x3FAD]  }
0x2b: {  	s6 =	sld [smem:$0x3FAE]  }
0x2c: {  	s7 =	sld [smem:$0x3FAF]  }
0x2d: {  	s3 =	simm.s32 $0x108;
	s8 =	sld [smem:$0x3FB0]  }
0x2e: {  	s3 =	simm.s32 @!p0 $0x1082;
	s9 =	sld [smem:$0x3FB1]  }
0x2f: {  	lr =	sadd.s32 s0, s3;
	s0 =	sld [smem:$0x3FA8]  }
0x30: {  	s3 =	sld [smem:$0x3FAB]  }
0x31: {  	[smem:$0x3FB4] =	sst s10  }
0x32: {  	s10 =	sld [smem:$0x3FB2];
	_ =	sdelay $0x3  }
0x33: {  	p0 =	seq.s32 s10, $0x1;
	s10 =	sld [smem:$0x3FB4];
	_ =	sdelay $0x3  }
0x34: {  	[smem:$0x3FB4] =	sst s10  }
0x35: {  	s10 =	sld [smem:$0x3FB3];
	_ =	sdelay $0x3  }
0x36: {  	p1 =	seq.s32 s10, $0x1;
	s10 =	sld [smem:$0x3FB4];
	_ =	sdelay $0x3  }
0x37: {  	[smem:$0x3FB4] =	sst s10  }
0x38: {  	s10 =	sld [smem:$0x3FB5]  }
0x39: {  	_ = 	snop;
	(pc) =	sbr.ind lr, $3  }
0x3a: {  	_ = 	snop  }
0x3b: {  	_ = 	snop  }
0x3c: {  	p2 =	seq.s32 s10, $0x1;
	s10 =	sld [smem:$0x3FB4]  }
0x3d: {  	_ =	shalt  }
0x3e: {  	_ =	shalt  }
0x3f: {  	_ =	shalt  }
0x40: {  	_ =	shalt  }
0x41: {  	_ =	shalt  }
0x42: {  	_ =	shalt  }
0x43: {  	_ =	shalt  }
0x44: {  	_ =	shalt  }
0x45: {  	_ =	shalt  }
0x46: {  	_ =	shalt  }
0x47: {  	_ =	shalt  }
0x48: {  	_ =	shalt  }
0x49: {  	_ =	shalt  }
0x4a: {  	_ =	shalt  }
0x4b: {  	_ =	shalt  }
0x4c: {  	_ =	shalt  }
0x4d: {  	_ =	shalt  }
0x4e: {  	_ =	shalt  }
0x4f: {  	_ =	shalt  }
0x50: {  	_ =	shalt  }
0x51: {  	_ =	shalt  }
0x52: {  	_ =	shalt  }
0x53: {  	_ =	shalt  }
0x54: {  	_ =	shalt  }
0x55: {  	_ =	shalt  }
0x56: {  	_ =	shalt  }
0x57: {  	_ =	shalt  }
0x58: {  	_ =	shalt  }
0x59: {  	_ =	shalt  }
0x5a: {  	_ =	shalt  }
0x5b: {  	_ =	shalt  }
0x5c: {  	_ =	shalt  }
0x5d: {  	_ =	shalt  }
0x5e: {  	_ =	shalt  }
0x5f: {  	_ =	shalt  }
0x60: {  	_ =	shalt  }
0x61: {  	_ =	shalt  }
0x62: {  	_ =	shalt  }
0x63: {  	_ =	shalt  }
0x64: {  	_ =	shalt  }
0x65: {  	_ =	shalt  }
0x66: {  	_ =	shalt  }
0x67: {  	_ =	shalt  }
0x68: {  	_ =	shalt  }
0x69: {  	_ =	shalt  }
0x6a: {  	_ =	shalt  }
0x6b: {  	_ =	shalt  }
0x6c: {  	_ =	shalt  }
0x6d: {  	_ =	shalt  }
0x6e: {  	_ =	shalt  }
0x6f: {  	_ =	shalt  }
0x70: {  	_ =	shalt  }
0x71: {  	_ =	shalt  }
0x72: {  	_ =	shalt  }
0x73: {  	_ =	shalt  }
0x74: {  	_ =	shalt  }
0x75: {  	_ =	shalt  }
0x76: {  	_ =	shalt  }
0x77: {  	_ =	shalt  }
0x78: {  	_ =	shalt  }
0x79: {  	_ =	shalt  }
0x7a: {  	_ =	shalt  }
0x7b: {  	_ =	shalt  }
0x7c: {  	_ =	shalt  }
0x7d: {  	_ =	shalt  }
0x7e: {  	_ =	shalt  }
0x7f: {  	_ =	shalt  }
0x80: {  	_ =	shalt  }
0x81: {  	_ =	shalt  }
0x82: {  	_ =	shalt  }
0x83: {  	_ =	shalt  }
0x84: {  	_ =	shalt  }
0x85: {  	_ =	shalt  }
0x86: {  	_ =	shalt  }
0x87: {  	_ =	shalt  }
.Lfunc_end0:
.L_simem_size_0:
called_computation_lowered:
.L_overlay_start_0:
0x88: {  	s2 =	sld [smem:$0x3FD9]  }
0x89: {  	s3 =	sld [smem:$0x3FFE];
	_ =	sdelay $0x1  }
0x8a: {  	s1 =	srdreg.scid  }
0x8b: {  	s0 =	sand.u32 $0x1, s1  }
0x8c: {  	s14 =	sshll.u32 s0, $0xA;
	s2 =	sadd.s32 s3, s2  }
0x8d: {  	s2 =	sadd.s32 s2, s14  }
0x8e: {  	[smem:$0x3FC0] =	sst s2  }
0x8f: {  	_ = 	snop  }
0x90: {  	s2 =	sld [smem:$0x3FD0];
	_ =	sdelay $0x2  }
0x91: {  	s4 =	simm.s32 $0xA;
	s5 =	simm.s32 $0x10;
	s15 =	sld [smem:$0x3FC2]  }
0x92: {  	[smem:s5], [sflag:s4] =	dma.local [hbm:s2], $0x1  }
0x93: {  	_ =	swait.eq [sflag:s4], $0x1  }
0x94: {  	[sflag:s4] =	ssyncset.done $0x0  }
0x95: {  	[sflag:s4] =	ssyncadd.s32 $0xFFFFFFFF  }
0x96: {  	s16 =	sld [smem:$0x10];
	(tm) =	ssettm $0x1  }
0x97: {  	s17 =	sld [smem:$0x3FFB];
	_ =	sdelay $0x3  }
0x98: {  	_ =	strace s17  }
0x99: {  	s4 =	sld [smem:$0x3FFC];
	_ =	sdelay $0x3  }
0x9a: {  	_ =	strace s4  }
0x9b: {  	s4 =	sld [smem:$0x3FFD];
	_ =	sdelay $0x3  }
0x9c: {  	_ =	strace s4  }
0x9d: {  	_ =	strace $0x8FFFFFFF  }
0x9e: {  	s18 =	sld [smem:$0x3FDB];
	_ =	sdelay $0x1  }
0x9f: {  	s19 =	simm.s32 $_scs_section_size  }
0xa0: {  	s6 =	simm.s32 $_size__tile_overlayer_lowered;
	s7 =	simm.s32 $_tile_overlayer_lowered  }
0xa1: {  	s22 =	simm.s32 $0x1BFF;
	s21 =	sshll.u32 s7, $0x1;
	s4 =	sadd.s32 s19, s18  }
0xa2: {  	s8 =	simm.s32 $0x0;
	s20 =	sshll.u32 s6, $0x1;
	s6 =	sadd.s32 s21, s4  }
0xa3: {  	[timem:s8], [sflag:s22] =	dma.local [hbm:s6], s20  }
0xa4: {  	_ =	swait.ge [sflag:s22], s20  }
0xa5: {  	s5 =	ssub.s32 $0x0, s20;
	[sflag:s22] =	ssyncset.done $0x0  }
0xa6: {  	[sflag:s22] =	ssyncadd.s32 s5;
	_ =	sdelay $0x1  }
0xa7: {  	s23 =	simm.s32 $0x1B8B  }
0xa8: {  	_ =	swait.ge [sflag:s23], $0x1  }
0xa9: {  	[sflag:s23] =	ssyncset.done $0x0  }
0xaa: {  	s25 =	simm.s32 $0x1B8E;
	s24 =	sld [smem:$0x3FFE];
	[sflag:s23] =	ssyncadd.s32 $0xFFFFFFFF  }
0xab: {  	s26 =	simm.s32 $execute0_lowered;
	[smem:$0x3FD2] =	sst s25  }
0xac: {  	s6 =	sshll.u32 s26, $0x1;
	_ =	strace $0x80000046;
	[dreg:$0x1] =	wrdreg $0xFFFFFFFF  }
0xad: {  	s28 =	simm.s32 $_size_execute0_lowered;
	s4 =	sadd.s32 s4, s6;
	[dreg:$0x0] =	wrdreg $0x0  }
0xae: {  	s6 =	sshll.u32 s28, $0x1;
	[dreg:$0x2] =	wrdreg s4  }
0xaf: {  	[dreg:$0x3] =	wrdreg s6  }
0xb0: {  	[dreg:$0x4] =	wrdreg $0xC0  }
0xb1: {  	_ =	task [dreg:s8], $0x5FFFF  }
0xb2: {  	[dreg:$0x1] =	wrdreg $0xFFFFFFFF  }
0xb3: {  	[dreg:$0x0] =	wrdreg $0x60  }
0xb4: {  	[dreg:$0x2] =	wrdreg s15  }
0xb5: {  	[dreg:$0x3] =	wrdreg s16  }
0xb6: {  	[dreg:$0x4] =	wrdreg s24  }
0xb7: {  	[dreg:$0x5] =	wrdreg $0x9  }
0xb8: {  	_ =	task.clear_ibuf [dreg:s8], $0x6FFFF;
	_ =	strace $0x90000046  }
0xb9: {  	s29 =	simm.s32 $0x9;
	_ =	strace $0x80000048  }
0xba: {  	_ =	swait.ge [sflag:s29], $0x1  }
0xbb: {  	[sflag:s29] =	ssyncadd.s32 $0xFFFFFFFF  }
0xbc: {  	_ =	strace $0x90000048  }
0xbd: {  	_ =	sfence  }
0xbe: {  	s30 =	sld [smem:$0x0];
	_ =	sdelay $0x2  }
0xbf: {  	s31 =	sshll.u32 s1, $0xD;
	s1 =	sshrl.u32 s1, $0x2  }
0xc0: {  	s3 =	sand.u32 $0x4000, s31;
	s1 =	sadd.s32 s1, s30  }
0xc1: {  	s0 =	sor.u32 s3, s0;
	s1 =	sshll.u32 s1, $0x11  }
0xc2: {  	s0 =	sor.u32 s1, s0  }
0xc3: {  	s0 =	sadd.s32 $0x8F2B, s0  }
0xc4: {  	[sflag:s0] =	ssyncadd.remote.s32 $0x1  }
0xc5: {  	_ =	sfence.sel $0xFFFF  }
0xc6: {  	[dreg:$0x0] =	wrdreg $0xFFFFFFFF;
	(pc) =	sbr.abs _section_cstart, $3  }
0xc7: {  	[dreg:$0x1] =	wrdreg $0xFFFFFFFF  }
0xc8: {  	_ =	task.clear_ibuf [dreg:s8], $0x2FFFF;
	_ =	strace $0x9FFFFFFF  }
0xc9: {  	(tm) =	ssettm $0x7FFFFFFF  }
tec
execute0_lowered:
.L_overlay_start_1:
0x0: {  	(tag) =	ssettag $0x1  }
0x1: {  	s0 =	srdreg.scid  }
0x2: {  	s5 =	sand.u32 $0x1, s0;
	s0 =	stileid.u32  }
0x3: {  	s6 =	sor.u32 s0, s5  }
0x4: {  	p0 =	sne.s32 s6, $0x0  }
.Ltmp0:
0x5: {  	_ = 	snop;
	(pc) =	sbr.rel @p0 .LBB2_3-.Ltmp0, $4  }
0x6: {  	s1 =	rddreg [dreg:$0x0]  }
0x7: {  	s3 =	rddreg [dreg:$0x1]  }
0x8: {  	s4 =	rddreg [dreg:$0x2]  }
0x9: {  	s2 =	rddreg [dreg:$0x3];
	_ =	strace $0x80000047  }
0xa: {  	vm0 =	vmmov $0x1;
	v0 =	vimm.s32 $0x0  }
0xb: {  	s5 =	ssub.s32 $0x2, s5;
	s4 =	sadd.s32 $0x1200, s4;
	vm15 =	vmmov $0x7fff;
	v1 =	vimm.s32 $0x0;
	v0 =	vsel vm0, $0xFFFFFFFF, v0  }
0xc: {  	s7 =	simm.s32 $0x1;
	s8 =	simm.s32 $0x200;
	s6 =	sshrl.u32 s5, $0x1;
	v1 =	vsel vm15, $0xFFFFFFFF, v1;
	[tilespmem:$0x1FFE0] =	vst v0  }
0xd: {  	s9 =	simm.s32 $0x400;
	v0 =	vimm.s32 $0x0;
	s5 =	ssub.s32 s5, s6;
	s6 =	simm.s32 $0x0;
	[tilespmem:$0x1FFF0] =	vst v1  }
.LBB2_2:
0xe: {  	[tilespmem:s6], [sflag:$0x1] =	stream.linear.gather [hbm4b:s1+s6], $0x200, $0x38;
	[tilespmem:$0x600] =	vst v63  }
0xf: {  	_ =	swait.ge [sflag:s7], $0x200  }
0x10: {  	[sflag:s7] =	ssyncset.done $0x0  }
0x11: {  	[sflag:s7] =	ssyncadd.s32 $0xFFFFFE00  }
0x12: {  	[tilespmem:s8], [sflag:$0x1] =	stream.linear.gather [hbm4b:s3+s6], $0x200, $0x38;
	[tilespmem:$0x600] =	vst v63  }
0x13: {  	_ =	swait.ge [sflag:s7], $0x200  }
0x14: {  	[sflag:s7] =	ssyncset.done $0x0  }
0x15: {  	v2 =	vld [tilespmem:$0x1FFE0];
	[sflag:s7] =	ssyncadd.s32 $0xFFFFFE00  }
0x16: {  	v1 =	vld [tilespmem:$0x0];
	_ =	sdelay $0x3  }
0x17: {  	vm0 =	vnez.u8 v2  }
0x18: {  	vm15 =	vcmask $0x308;
	v2 =	vnsel vm0, $0x0, v1  }
0x19: {  	(xrf2) =	vadd.scan.msk.f32 $0xffff, v2;
	v2 =	vsel vm15, $0x0, v1  }
0x1a: {  	(xrf2) =	vadd.scan.msk.f32 $0xffff, v2;
	_ =	sdelay $0x3  }
0x1b: {  	vm9 =	vcmask $0x70C  }
0x1c: {  	vm11 =	vcmask $0xB10;
	v2 =	vsel vm9, $0x0, v1  }
0x1d: {  	(xrf2) =	vadd.scan.msk.f32 $0xffff, v2;
	v2 =	vsel vm11, $0x0, v1;
	_ =	sdelay $0x1  }
0x1e: {  	vm13 =	vcmask $0xF14;
	vm7 =	vcmask $0x1318;
	vm2 =	vcmask $0x171C;
	(xrf2) =	vadd.scan.msk.f32 $0xffff, v2  }
0x1f: {  	vm6 =	vcmask $0x3F04;
	vm3 =	vcmask $0x1B20;
	v3 =	vsel vm13, $0x0, v1;
	v2, _, _ =	vpop (xrf2)  }
0x20: {  	vm14 =	vcmask $0x2328;
	(xrf2) =	vadd.scan.msk.f32 $0xffff, v3;
	v3 =	vsel vm7, $0x0, v1;
	v2 =	vbroadcast v2, $0xF;
	v4, _, _ =	vpop (xrf2)  }
0x21: {  	vm12 =	vcmask $0x2B30;
	v24 =	vsel vm2, $0x0, v1;
	(xrf2) =	vadd.scan.msk.f32 $0xffff, v3;
	v3 =	vbroadcast v4, $0xF  }
0x22: {  	vm13 =	vcmask $0x1F24;
	vm1 =	veq.f32 v2, v1;
	vm2 =	vgt.f32 v2, v1  }
0x23: {  	(xrf2) =	vadd.scan.msk.f32 $0xffff, v24;
	v2 =	vsel vm3, $0x0, v1;
	vm1 =	vmand vm1, vm6;
	vm10 =	veq.f32 v3, v1  }
0x24: {  	(xrf2) =	vadd.scan.msk.f32 $0xffff, v2;
	v2 =	vsel vm13, $0x0, v1;
	vm3 =	vgt.f32 v3, v1;
	vm13 =	vcmask $0x3F08  }
0x25: {  	vm1 =	vmor vm2, vm1;
	vm2 =	vmand vm10, vm13;
	vm10 =	vcmask $0x272C  }
0x26: {  	v3, _, _ =	vpop (xrf2);
	(xrf2) =	vadd.scan.msk.f32 $0xffff, v2;
	v2 =	vsel vm14, $0x0, v1;
	vm2 =	vmor vm3, vm2;
	v25 =	vsel vm1, $0x1, v0  }
0x27: {  	vm3 =	vcmask $0x3338;
	v3 =	vbroadcast v3, $0xF;
	(xrf2) =	vadd.scan.msk.f32 $0xffff, v2;
	v2 =	vsel vm10, $0x0, v1  }
0x28: {  	v5 =	vsel vm2, $0x1, v0;
	v6, _, _ =	vpop (xrf2);
	vm2 =	vcmask $0x2F34;
	(xrf2) =	vadd.scan.msk.f32 $0xffff, v2;
	v2 =	vsel vm12, $0x0, v1  }
0x29: {  	vm10 =	vcmask $0x3F0C;
	vm14 =	veq.f32 v3, v1;
	(xrf2) =	vadd.scan.msk.f32 $0xffff, v2;
	v2 =	vsel vm2, $0x0, v1  }
0x2a: {  	vm1 =	vmand vm14, vm10;
	(xrf2) =	vadd.scan.msk.f32 $0xffff, v2;
	v2 =	vsel vm3, $0x0, v1;
	vm14 =	vcmask $0x373C  }
0x2b: {  	v6 =	vbroadcast v6, $0xF;
	vm2 =	vgt.f32 v3, v1;
	v3, _, _ =	vpop (xrf2);
	(xrf2) =	vadd.scan.msk.f32 $0xffff, v2;
	v2 =	vsel vm14, $0x0, v1  }
0x2c: {  	(xrf2) =	vadd.scan.msk.f32 $0xffff, v2;
	v2 =	vld [tilespmem:$0x1FFF0]  }
0x2d: {  	vm5 =	vcmask $0x3F1C;
	vm12 =	vcmask $0x3F10;
	vm4 =	veq.f32 v6, v1  }
0x2e: {  	vm10 =	vgt.f32 v6, v1;
	vm4 =	vmand vm4, vm12;
	v3 =	vbroadcast v3, $0xF  }
0x2f: {  	vm7 =	vcmask $0x3F20;
	vm1 =	vmor vm2, vm1;
	v26, _, _ =	vpop (xrf2);
	vm8 =	vmor vm10, vm4  }
0x30: {  	vm14 =	vcmask $0x3F14;
	v6 =	vbroadcast v26, $0xF;
	v7 =	vsel vm8, $0x1, v0  }
0x31: {  	v8, _, _ =	vpop (xrf2);
	vm8 =	vcmask $0x3F18;
	vm10 =	veq.f32 v3, v1;
	vm6 =	vnez.u8 v2  }
0x32: {  	vm2 =	vgt.f32 v3, v1;
	vm12 =	veq.f32 v6, v1;
	v3, _, _ =	vpop (xrf2);
	v2 =	vsel vm6, $0x0, v1  }
0x33: {  	v27 =	vbroadcast v8, $0xF;
	vm3 =	vmand vm12, vm8;
	v28, _, _ =	vpop (xrf2);
	v3 =	vbroadcast v3, $0xF;
	(xrf2) =	vadd.scan.msk.f32 $0xffff, v2  }
0x34: {  	v9, _, _ =	vpop (xrf2);
	v29 =	vbroadcast v28, $0xF;
	v2 =	vsel vm1, $0x1, v0;
	vm1 =	vmand vm10, vm14  }
0x35: {  	vm14 =	vgt.f32 v6, v1;
	vm10 =	vgt.f32 v3, v1;
	v31 =	vbroadcast v9, $0xF  }
0x36: {  	v12, _, _ =	vpop (xrf2);
	vm1 =	vmor vm2, vm1;
	vm12 =	vmor vm14, vm3;
	vm14 =	veq.f32 v27, v1  }
0x37: {  	vm3 =	veq.f32 v3, v1;
	v12 =	vbroadcast v12, $0xF;
	v10 =	vsel vm1, $0x1, v0  }
0x38: {  	v11 =	vsel vm12, $0x1, v0;
	vm1 =	vgt.f32 v27, v1;
	vm2 =	vmand vm14, vm5  }
0x39: {  	v30, _, _ =	vpop (xrf2);
	vm3 =	vmand vm3, vm7;
	vm12 =	vgt.f32 v29, v1;
	vm5 =	vcmask $0x3F24  }
0x3a: {  	v3, _, _ =	vpop (xrf2);
	vm4 =	veq.f32 v31, v1;
	vm7 =	vcmask $0x3F28;
	v8 =	vbroadcast v30, $0xF  }
0x3b: {  	vm1 =	vmor vm1, vm2;
	vm8 =	vmor vm10, vm3;
	vm10 =	veq.f32 v29, v1;
	v13, _, _ =	vpop (xrf2)  }
0x3c: {  	vm2 =	vmand vm4, vm7;
	v3 =	vbroadcast v3, $0xF;
	vm3 =	vmand vm10, vm5;
	v32, _, _ =	vpop (xrf2)  }
0x3d: {  	v14 =	vsel vm1, $0x1, v0;
	v15 =	vsel vm8, $0x1, v0;
	vm5 =	vgt.f32 v31, v1;
	v16, _, _ =	vpop (xrf2)  }
0x3e: {  	vm8 =	veq.f32 v12, v1;
	vm4 =	veq.f32 v8, v1;
	v16 =	vbroadcast v16, $0xF  }
0x3f: {  	vm14 =	vmor vm12, vm3;
	vm1 =	vmor vm5, vm2;
	vm12 =	vgt.f32 v12, v1  }
0x40: {  	vm5 =	vgt.f32 v8, v1;
	vm7 =	vgt.f32 v3, v1;
	vm10 =	vgt.f32 v16, v1  }
0x41: {  	v38 =	vbroadcast v32, $0xF;
	v17 =	vsel vm14, $0x1, v0;
	v33 =	vsel vm10, $0x1, v0  }
0x42: {  	vm14 =	vcmask $0x3F2C;
	v34 =	vsel vm1, $0x1, v0;
	v5 =	vadd.s32 v33, v5  }
0x43: {  	vm2 =	vmand vm8, vm14;
	vm14 =	veq.f32 v3, v1;
	v4 =	vadd.s32 v25, v5  }
0x44: {  	v3 =	vbroadcast v13, $0xF;
	vm8 =	vgt.f32 v38, v1;
	v2 =	vadd.s32 v2, v4  }
0x45: {  	vm2 =	vmor vm12, vm2;
	vm12 =	vcmask $0x3F30;
	v2 =	vadd.s32 v7, v2  }
0x46: {  	v35 =	vsel vm2, $0x1, v0;
	vm1 =	vmand vm4, vm12;
	v2 =	vadd.s32 v10, v2  }
0x47: {  	vm12 =	vcmask $0x3F34;
	vm4 =	vgt.f32 v3, v1;
	v2 =	vadd.s32 v11, v2  }
0x48: {  	vm1 =	vmor vm5, vm1;
	vm2 =	vmand vm14, vm12;
	v2 =	vadd.s32 v14, v2  }
0x49: {  	vm14 =	veq.f32 v3, v1;
	vm5 =	vcmask $0x3F38;
	v2 =	vadd.s32 v15, v2  }
0x4a: {  	vm2 =	vmor vm7, vm2;
	v36 =	vsel vm1, $0x1, v0;
	v2 =	vadd.s32 v17, v2  }
0x4b: {  	vm1 =	vmand vm14, vm5;
	vm7 =	veq.f32 v38, v1;
	v2 =	vadd.s32 v34, v2  }
0x4c: {  	v3 =	vld [tilespmem:$0x200];
	v37 =	vsel vm2, $0x1, v0;
	vm10 =	vcmask $0x3F3C;
	v2 =	vadd.s32 v35, v2  }
0x4d: {  	vm1 =	vmor vm4, vm1;
	vm2 =	vmand vm7, vm10;
	v2 =	vadd.s32 v36, v2  }
0x4e: {  	v39 =	vsel vm1, $0x1, v0;
	vm12 =	vmor vm8, vm2;
	v2 =	vadd.s32 v37, v2  }
0x4f: {  	v40 =	vsel vm12, $0x1, v0;
	v2 =	vadd.s32 v39, v2  }
0x50: {  	v2 =	vadd.s32 v40, v2  }
0x51: {  	vm14 =	vlt.s32 v2, v3  }
0x52: {  	v1 =	vnsel vm14, $0x0, v1  }
0x53: {  	(xrf0) =	vmax.scan.msk.f32 $0xffff, v1;
	_ =	sdelay $0x5  }
0x54: {  	v2, _, _ =	vpop (xrf0)  }
0x55: {  	v2 =	vbroadcast v2, $0xF;
	_ =	sdelay $0x1  }
0x56: {  	v1 =	vsub.f32 v1, v2;
	_ =	sdelay $0x1  }
0x57: {  	v1 =	vmul.f32 $1.442695020e+00, v1;
	_ =	sdelay $0x1  }
0x58: {  	(erf) = vpow2.f32 v1;
	_ =	sdelay $0x4  }
0x59: {  	v2 =	vld [tilespmem:$0x80];
	_ =	sdelay $0x3  }
0x5a: {  	v1 =	vpop (erf)  }
0x5b: {  	v3 =	vnsel vm0, $0x0, v2;
	(xrf2) =	vadd.scan.msk.f32 $0xffff, v1  }
0x5c: {  	(xrf2) =	vadd.scan.msk.f32 $0xffff, v3;
	v3 =	vsel vm15, $0x0, v2  }
0x5d: {  	(xrf2) =	vadd.scan.msk.f32 $0xffff, v3;
	v3 =	vsel vm9, $0x0, v2  }
0x5e: {  	(xrf2) =	vadd.scan.msk.f32 $0xffff, v3  }
0x5f: {  	v3 =	vsel vm11, $0x0, v2  }
0x60: {  	(xrf2) =	vadd.scan.msk.f32 $0xffff, v3;
	_ =	sdelay $0x2  }
0x61: {  	vm5 =	vmmov vm0;
	vm15 =	vcmask $0xF14  }
0x62: {  	vm4 =	vcmask $0x1318;
	vm14 =	vcmask $0x171C;
	v42 =	vsel vm15, $0x0, v2  }
0x63: {  	v43 =	vsel vm4, $0x0, v2;
	v46 =	vsel vm14, $0x0, v2;
	v61 =	vsel vm6, $0x0, v2;
	(xrf2) =	vadd.scan.msk.f32 $0xffff, v42;
	v3, _, _ =	vpop (xrf2)  }
0x64: {  	vm0 =	vcmask $0x3F20;
	vm9 =	vcmask $0x3F04;
	vm15 =	vcmask $0x1B20;
	(xrf2) =	vadd.scan.msk.f32 $0xffff, v43;
	v41, _, _ =	vpop (xrf2)  }
0x65: {  	v47 =	vsel vm15, $0x0, v2;
	vm11 =	vcmask $0x1F24;
	v4 =	vbroadcast v41, $0xF;
	v44, _, _ =	vpop (xrf2)  }
0x66: {  	v48 =	vsel vm11, $0x0, v2;
	vm11 =	vcmask $0x3F10;
	v45 =	vbroadcast v44, $0xF;
	v49, _, _ =	vpop (xrf2)  }
0x67: {  	(xrf2) =	vadd.scan.msk.f32 $0xffff, v46;
	vm7 =	veq.f32 v4, v2;
	vm8 =	vgt.f32 v4, v2;
	v5 =	vbroadcast v49, $0xF  }
0x68: {  	v54, _, _ =	vpop (xrf2);
	vm1 =	vmand vm7, vm9;
	vm10 =	veq.f32 v45, v2;
	vm12 =	vgt.f32 v45, v2  }
0x69: {  	vm9 =	vcmask $0x272C;
	vm7 =	vcmask $0x2B30;
	v8 =	vbroadcast v54, $0xF  }
0x6a: {  	vm1 =	vmor vm8, vm1;
	vm2 =	vmand vm10, vm13;
	vm10 =	vcmask $0x2328  }
0x6b: {  	(xrf2) =	vadd.scan.msk.f32 $0xffff, v47;
	v51 =	vsel vm9, $0x0, v2;
	v55 =	vsel vm7, $0x0, v2;
	vm4 =	veq.f32 v5, v2  }
0x6c: {  	vm13 =	vcmask $0x2F34;
	vm8 =	vcmask $0x3F0C;
	v50 =	vsel vm10, $0x0, v2  }
0x6d: {  	(xrf2) =	vadd.scan.msk.f32 $0xffff, v48;
	v58, _, _ =	vpop (xrf2);
	vm2 =	vmor vm12, vm2;
	v52 =	vsel vm1, $0x1, v0;
	v56 =	vsel vm13, $0x0, v2  }
0x6e: {  	v60, _, _ =	vpop (xrf2);
	vm1 =	vmand vm4, vm8;
	vm12 =	vcmask $0x3338;
	vm3 =	vgt.f32 v8, v2  }
0x6f: {  	vm4 =	veq.f32 v8, v2;
	vm8 =	vcmask $0x373C;
	v8 =	vbroadcast v60, $0xF;
	(xrf2) =	vadd.scan.msk.f32 $0xffff, v50  }
0x70: {  	v53 =	vsel vm2, $0x1, v0;
	vm2 =	vgt.f32 v5, v2;
	v57 =	vsel vm12, $0x0, v2;
	(xrf2) =	vadd.scan.msk.f32 $0xffff, v51  }
0x71: {  	v18, _, _ =	vpop (xrf2);
	v59 =	vsel vm8, $0x0, v2;
	vm4 =	vmand vm4, vm11;
	v5 =	vbroadcast v58, $0xF;
	(xrf2) =	vadd.scan.msk.f32 $0xffff, v55  }
0x72: {  	v20 =	vbroadcast v18, $0xF;
	vm1 =	vmor vm2, vm1;
	vm4 =	vmor vm3, vm4;
	(xrf2) =	vadd.scan.msk.f32 $0xffff, v56  }
0x73: {  	vm3 =	veq.f32 v8, v2;
	v62 =	vsel vm1, $0x1, v0;
	v63 =	vsel vm4, $0x1, v0;
	(xrf2) =	vadd.scan.msk.f32 $0xffff, v57  }
0x74: {  	vm11 =	veq.f32 v5, v2;
	vm2 =	vgt.f32 v5, v2;
	vm4 =	vcmask $0x3F14;
	(xrf2) =	vadd.scan.msk.f32 $0xffff, v59  }
0x75: {  	vm1 =	vmand vm11, vm4;
	v19, _, _ =	vpop (xrf2);
	vm4 =	vgt.f32 v8, v2;
	vm11 =	vcmask $0x3F18;
	(xrf2) =	vadd.scan.msk.f32 $0xffff, v61  }
0x76: {  	vm3 =	vmand vm3, vm11;
	vm1 =	vmor vm2, vm1;
	v5 =	vbroadcast v19, $0xF  }
0x77: {  	v21, _, _ =	vpop (xrf2);
	vm2 =	veq.f32 v20, v2;
	vm11 =	vmor vm4, vm3;
	v23 =	vsel vm1, $0x1, v0  }
0x78: {  	vm1 =	vgt.f32 v20, v2;
	v26 =	vbroadcast v21, $0xF;
	v24 =	vsel vm11, $0x1, v0  }
0x79: {  	vm3 =	veq.f32 v5, v2;
	vm11 =	vcmask $0x3F1C;
	vm4 =	vgt.f32 v5, v2;
	v22, _, _ =	vpop (xrf2)  }
0x7a: {  	vm2 =	vmand vm2, vm11;
	vm3 =	vmand vm3, vm0;
	vm0 =	vcmask $0x3F24;
	v25, _, _ =	vpop (xrf2)  }
0x7b: {  	vm1 =	vmor vm1, vm2;
	vm2 =	vmor vm4, vm3;
	vm3 =	veq.f32 v26, v2;
	v27, _, _ =	vpop (xrf2)  }
0x7c: {  	vm4 =	vgt.f32 v26, v2;
	vm3 =	vmand vm3, vm0;
	v32 =	vsel vm1, $0x1, v0;
	v28, _, _ =	vpop (xrf2)  }
0x7d: {  	v33 =	vsel vm2, $0x1, v0;
	vm4 =	vmor vm4, vm3;
	v30 =	vbroadcast v22, $0xF;
	v29, _, _ =	vpop (xrf2)  }
0x7e: {  	vm0 =	vcmask $0x3F2C;
	v19 =	vsel vm4, $0x1, v0;
	vm4 =	vcmask $0x3F28;
	v31, _, _ =	vpop (xrf2)  }
0x7f: {  	v14 =	vbroadcast v25, $0xF;
	vm2 =	veq.f32 v30, v2;
	vm1 =	vgt.f32 v30, v2;
	v18, _, _ =	vpop (xrf2)  }
0x80: {  	v10 =	vbroadcast v27, $0xF;
	vm2 =	vmand vm2, vm4;
	v18 =	vbroadcast v18, $0xF  }
0x81: {  	vm4 =	vgt.f32 v14, v2;
	v5 =	vbroadcast v28, $0xF;
	vm1 =	vmor vm1, vm2  }
0x82: {  	vm2 =	veq.f32 v14, v2;
	v37 =	vbroadcast v29, $0xF;
	vm3 =	vgt.f32 v18, v2  }
0x83: {  	vm2 =	vmand vm2, vm0;
	v35 =	vsel vm1, $0x1, v0;
	v34 =	vsel vm3, $0x1, v0  }
0x84: {  	vm1 =	veq.f32 v10, v2;
	v40 =	vbroadcast v31, $0xF;
	v7 =	vadd.s32 v34, v53  }
0x85: {  	vm2 =	vmor vm4, vm2;
	vm4 =	vcmask $0x3F34;
	v6 =	vadd.s32 v52, v7  }
0x86: {  	v36 =	vsel vm2, $0x1, v0;
	vm3 =	vcmask $0x3F30;
	v4 =	vadd.s32 v62, v6  }
0x87: {  	vm2 =	vgt.f32 v10, v2;
	vm1 =	vmand vm1, vm3;
	v4 =	vadd.s32 v63, v4  }
0x88: {  	vm1 =	vmor vm2, vm1;
	vm2 =	veq.f32 v5, v2;
	v4 =	vadd.s32 v23, v4  }
0x89: {  	vm3 =	vgt.f32 v5, v2;
	vm2 =	vmand vm2, vm4;
	v4 =	vadd.s32 v24, v4  }
0x8a: {  	v38 =	vsel vm1, $0x1, v0;
	vm1 =	veq.f32 v37, v2;
	v4 =	vadd.s32 v32, v4  }
0x8b: {  	vm4 =	vcmask $0x3F38;
	vm2 =	vmor vm3, vm2;
	v4 =	vadd.s32 v33, v4  }
0x8c: {  	vm1 =	vmand vm1, vm4;
	vm4 =	vcmask $0x3F3C;
	v4 =	vadd.s32 v19, v4  }
0x8d: {  	v39 =	vsel vm2, $0x1, v0;
	vm2 =	vgt.f32 v37, v2;
	v4 =	vadd.s32 v35, v4  }
0x8e: {  	v41 =	vld [tilespmem:$0x280];
	vm1 =	vmor vm2, vm1;
	vm2 =	veq.f32 v40, v2;
	v4 =	vadd.s32 v36, v4  }
0x8f: {  	vm3 =	vgt.f32 v40, v2;
	vm2 =	vmand vm2, vm4;
	v4 =	vadd.s32 v38, v4  }
0x90: {  	v42 =	vsel vm1, $0x1, v0;
	vm4 =	vmor vm3, vm2;
	v4 =	vadd.s32 v39, v4  }
0x91: {  	v43 =	vsel vm4, $0x1, v0;
	v4 =	vadd.s32 v42, v4  }
0x92: {  	v4 =	vadd.s32 v43, v4  }
0x93: {  	vm4 =	vlt.s32 v4, v41  }
0x94: {  	v2 =	vnsel vm4, $0x0, v2  }
0x95: {  	(xrf0) =	vmax.scan.msk.f32 $0xffff, v2;
	_ =	sdelay $0x5  }
0x96: {  	v44, _, _ =	vpop (xrf0)  }
0x97: {  	v4 =	vbroadcast v44, $0xF;
	_ =	sdelay $0x1  }
0x98: {  	v2 =	vsub.f32 v2, v4  }
0x99: {  	v3 =	vbroadcast v3, $0xF  }
0x9a: {  	v2 =	vmul.f32 $1.442695020e+00, v2  }
0x9b: {  	(erf) = vrcp.f32 v3  }
0x9c: {  	(erf) = vpow2.f32 v2;
	_ =	sdelay $0x4  }
0x9d: {  	v4 =	vld [tilespmem:$0x100];
	_ =	sdelay $0x2  }
0x9e: {  	v2 =	vpop (erf)  }
0x9f: {  	v3 =	vpop (erf)  }
0xa0: {  	vm0 =	vmmov vm5;
	v45 =	vnsel vm5, $0x0, v4;
	vm5 =	vcmask $0x308;
	(xrf2) =	vadd.scan.msk.f32 $0xffff, v3  }
0xa1: {  	vm4 =	vcmask $0x70C;
	v46 =	vsel vm5, $0x0, v4;
	(xrf2) =	vadd.scan.msk.f32 $0xffff, v45  }
0xa2: {  	v47 =	vsel vm4, $0x0, v4;
	vm5 =	vcmask $0xB10;
	(xrf2) =	vadd.scan.msk.f32 $0xffff, v46  }
0xa3: {  	v48 =	vsel vm5, $0x0, v4;
	(xrf2) =	vadd.scan.msk.f32 $0xffff, v47  }
0xa4: {  	vm4 =	vcmask $0xF14;
	(xrf2) =	vadd.scan.msk.f32 $0xffff, v48  }
0xa5: {  	v50 =	vsel vm4, $0x0, v4  }
0xa6: {  	vm5 =	vcmask $0x1318;
	(xrf2) =	vadd.scan.msk.f32 $0xffff, v50  }
0xa7: {  	v51 =	vsel vm5, $0x0, v4  }
0xa8: {  	v52 =	vsel vm14, $0x0, v4;
	(xrf2) =	vadd.scan.msk.f32 $0xffff, v51  }
0xa9: {  	v54 =	vsel vm15, $0x0, v4;
	vm14 =	vcmask $0x3F04;
	(xrf2) =	vadd.scan.msk.f32 $0xffff, v52  }
0xaa: {  	vm15 =	vcmask $0x1F24;
	v56 =	vsel vm10, $0x0, v4;
	v58 =	vsel vm9, $0x0, v4;
	v5, _, _ =	vpop (xrf2)  }
0xab: {  	v60 =	vsel vm7, $0x0, v4;
	v62 =	vsel vm13, $0x0, v4;
	v17 =	vsel vm12, $0x0, v4;
	v49, _, _ =	vpop (xrf2)  }
0xac: {  	v18 =	vsel vm8, $0x0, v4;
	vm7 =	vmmov vm8;
	v6 =	vbroadcast v49, $0xF;
	v53, _, _ =	vpop (xrf2)  }
0xad: {  	v20 =	vsel vm6, $0x0, v4;
	vm8 =	vcmask $0x3F10;
	v55 =	vsel vm15, $0x0, v4;
	v59, _, _ =	vpop (xrf2)  }
0xae: {  	vm1 =	vgt.f32 v6, v4;
	vm2 =	veq.f32 v6, v4;
	v6 =	vbroadcast v53, $0xF;
	v61, _, _ =	vpop (xrf2)  }
0xaf: {  	vm15 =	vcmask $0x3F08;
	(xrf2) =	vadd.scan.msk.f32 $0xffff, v54;
	vm2 =	vmand vm2, vm14;
	v9 =	vbroadcast v61, $0xF  }
0xb0: {  	(xrf2) =	vadd.scan.msk.f32 $0xffff, v55;
	v19, _, _ =	vpop (xrf2);
	vm1 =	vmor vm1, vm2;
	vm10 =	veq.f32 v6, v4;
	vm14 =	vgt.f32 v6, v4  }
0xb1: {  	v6 =	vbroadcast v59, $0xF;
	v7 =	vbroadcast v19, $0xF;
	v57 =	vsel vm1, $0x1, v0  }
0xb2: {  	(xrf2) =	vadd.scan.msk.f32 $0xffff, v56;
	v21, _, _ =	vpop (xrf2);
	vm1 =	vmand vm10, vm15;
	vm10 =	vcmask $0x3F0C;
	vm15 =	vgt.f32 v9, v4  }
0xb3: {  	v22 =	vbroadcast v21, $0xF;
	v23, _, _ =	vpop (xrf2);
	vm1 =	vmor vm14, vm1;
	vm14 =	vmmov vm13  }
0xb4: {  	(xrf2) =	vadd.scan.msk.f32 $0xffff, v58;
	vm9 =	veq.f32 v6, v4;
	vm13 =	veq.f32 v9, v4;
	v27 =	vbroadcast v23, $0xF  }
0xb5: {  	(xrf2) =	vadd.scan.msk.f32 $0xffff, v60;
	v63 =	vsel vm1, $0x1, v0;
	vm1 =	vgt.f32 v6, v4;
	vm2 =	vmand vm9, vm10  }
0xb6: {  	(xrf2) =	vadd.scan.msk.f32 $0xffff, v62;
	vm3 =	vmand vm13, vm8;
	vm10 =	veq.f32 v7, v4;
	vm13 =	veq.f32 v22, v4  }
0xb7: {  	(xrf2) =	vadd.scan.msk.f32 $0xffff, v17;
	vm8 =	vgt.f32 v22, v4;
	vm1 =	vmor vm1, vm2;
	vm9 =	vmor vm15, vm3  }
0xb8: {  	(xrf2) =	vadd.scan.msk.f32 $0xffff, v18;
	vm15 =	vcmask $0x3F14;
	v24 =	vsel vm1, $0x1, v0;
	v25 =	vsel vm9, $0x1, v0  }
0xb9: {  	(xrf2) =	vadd.scan.msk.f32 $0xffff, v20;
	v26, _, _ =	vpop (xrf2);
	vm1 =	vgt.f32 v7, v4;
	vm2 =	vmand vm10, vm15;
	vm9 =	vcmask $0x3F18  }
0xba: {  	v28, _, _ =	vpop (xrf2);
	vm15 =	vgt.f32 v27, v4;
	v31 =	vbroadcast v26, $0xF;
	vm3 =	vmand vm13, vm9  }
0xbb: {  	vm1 =	vmor vm1, vm2;
	vm13 =	veq.f32 v27, v4;
	v9 =	vbroadcast v28, $0xF  }
0xbc: {  	v29, _, _ =	vpop (xrf2);
	vm10 =	vmor vm8, vm3;
	vm3 =	vmand vm13, vm11;
	v33 =	vsel vm1, $0x1, v0  }
0xbd: {  	vm9 =	veq.f32 v31, v4;
	v6 =	vbroadcast v29, $0xF;
	vm13 =	vcmask $0x3F24  }
0xbe: {  	v30, _, _ =	vpop (xrf2);
	v34 =	vsel vm10, $0x1, v0;
	vm8 =	vmor vm15, vm3;
	vm10 =	vgt.f32 v31, v4  }
0xbf: {  	v32, _, _ =	vpop (xrf2);
	vm15 =	vcmask $0x3F20;
	vm2 =	vgt.f32 v9, v4;
	vm11 =	veq.f32 v9, v4  }
0xc0: {  	v14 =	vbroadcast v30, $0xF;
	v35, _, _ =	vpop (xrf2);
	v36 =	vsel vm8, $0x1, v0;
	vm1 =	vmand vm9, vm15  }
0xc1: {  	vm8 =	vgt.f32 v6, v4;
	vm9 =	veq.f32 v6, v4;
	v13 =	vbroadcast v32, $0xF;
	v37, _, _ =	vpop (xrf2)  }
0xc2: {  	vm1 =	vmor vm10, vm1;
	vm10 =	vmand vm11, vm13;
	vm11 =	vcmask $0x3F28;
	v38, _, _ =	vpop (xrf2)  }
0xc3: {  	v17 =	vbroadcast v35, $0xF;
	v41 =	vsel vm1, $0x1, v0;
	vm1 =	vmor vm2, vm10;
	v39, _, _ =	vpop (xrf2)  }
0xc4: {  	vm2 =	vmand vm9, vm11;
	vm9 =	veq.f32 v14, v4;
	v40 =	vbroadcast v39, $0xF  }
0xc5: {  	vm10 =	vgt.f32 v14, v4;
	vm11 =	vcmask $0x3F2C;
	vm5 =	veq.f32 v13, v4  }
0xc6: {  	vm4 =	vgt.f32 v13, v4;
	v46 =	vbroadcast v37, $0xF;
	vm3 =	vgt.f32 v40, v4  }
0xc7: {  	v42 =	vsel vm1, $0x1, v0;
	vm8 =	vmor vm8, vm2;
	v43 =	vsel vm3, $0x1, v0  }
0xc8: {  	vm2 =	vmand vm9, vm11;
	vm11 =	vcmask $0x3F34;
	v10 =	vadd.s32 v43, v63  }
0xc9: {  	v7 =	vbroadcast v38, $0xF;
	vm9 =	vcmask $0x3F3C;
	v8 =	vadd.s32 v57, v10  }
0xca: {  	vm2 =	vmor vm10, vm2;
	v44 =	vsel vm8, $0x1, v0;
	v8 =	vadd.s32 v24, v8  }
0xcb: {  	vm8 =	vcmask $0x3F30;
	vm10 =	vcmask $0x3F38;
	v8 =	vadd.s32 v25, v8  }
0xcc: {  	v45 =	vsel vm2, $0x1, v0;
	vm1 =	vmand vm5, vm8;
	v8 =	vadd.s32 v33, v8  }
0xcd: {  	vm2 =	veq.f32 v17, v4;
	vm5 =	veq.f32 v46, v4;
	v8 =	vadd.s32 v34, v8  }
0xce: {  	vm1 =	vmor vm4, vm1;
	vm2 =	vmand vm2, vm11;
	v8 =	vadd.s32 v36, v8  }
0xcf: {  	vm4 =	vgt.f32 v46, v4;
	vm3 =	vgt.f32 v17, v4;
	v8 =	vadd.s32 v41, v8  }
0xd0: {  	v47 =	vsel vm1, $0x1, v0;
	vm1 =	vmand vm5, vm10;
	v6 =	vadd.s32 v42, v8  }
0xd1: {  	vm2 =	vmor vm3, vm2;
	vm1 =	vmor vm4, vm1;
	v6 =	vadd.s32 v44, v6  }
0xd2: {  	v49 =	vld [tilespmem:$0x300];
	v48 =	vsel vm2, $0x1, v0;
	vm2 =	veq.f32 v7, v4;
	v6 =	vadd.s32 v45, v6  }
0xd3: {  	vm3 =	vgt.f32 v7, v4;
	vm2 =	vmand vm2, vm9;
	v6 =	vadd.s32 v47, v6  }
0xd4: {  	v50 =	vsel vm1, $0x1, v0;
	vm5 =	vmor vm3, vm2;
	v6 =	vadd.s32 v48, v6  }
0xd5: {  	v51 =	vsel vm5, $0x1, v0;
	v6 =	vadd.s32 v50, v6  }
0xd6: {  	v6 =	vadd.s32 v51, v6  }
0xd7: {  	vm4 =	vlt.s32 v6, v49  }
0xd8: {  	v4 =	vnsel vm4, $0x0, v4  }
0xd9: {  	(xrf0) =	vmax.scan.msk.f32 $0xffff, v4;
	_ =	sdelay $0x5  }
0xda: {  	v52, _, _ =	vpop (xrf0)  }
0xdb: {  	v6 =	vbroadcast v52, $0xF;
	_ =	sdelay $0x1  }
0xdc: {  	v4 =	vsub.f32 v4, v6  }
0xdd: {  	v5 =	vbroadcast v5, $0xF  }
0xde: {  	v4 =	vmul.f32 $1.442695020e+00, v4  }
0xdf: {  	(erf) = vrcp.f32 v5  }
0xe0: {  	(erf) = vpow2.f32 v4;
	_ =	sdelay $0x4  }
0xe1: {  	v6 =	vld [tilespmem:$0x180];
	_ =	sdelay $0x2  }
0xe2: {  	v5 =	vpop (erf)  }
0xe3: {  	v4 =	vpop (erf)  }
0xe4: {  	vm5 =	vcmask $0x308;
	v53 =	vnsel vm0, $0x0, v6;
	(xrf2) =	vadd.scan.msk.f32 $0xffff, v4  }
0xe5: {  	v54 =	vsel vm5, $0x0, v6;
	(xrf2) =	vadd.scan.msk.f32 $0xffff, v53  }
0xe6: {  	vm4 =	vcmask $0x70C;
	(xrf2) =	vadd.scan.msk.f32 $0xffff, v54  }
0xe7: {  	v55 =	vsel vm4, $0x0, v6;
	vm5 =	vcmask $0xB10  }
0xe8: {  	v56 =	vsel vm5, $0x0, v6;
	(xrf2) =	vadd.scan.msk.f32 $0xffff, v55  }
0xe9: {  	vm4 =	vcmask $0xF14;
	(xrf2) =	vadd.scan.msk.f32 $0xffff, v56  }
0xea: {  	v57 =	vsel vm4, $0x0, v6  }
0xeb: {  	v21 =	vsel vm14, $0x0, v6;
	v23 =	vsel vm12, $0x0, v6;
	vm5 =	vcmask $0x1318;
	(xrf2) =	vadd.scan.msk.f32 $0xffff, v57  }
0xec: {  	v25 =	vsel vm7, $0x0, v6;
	v27 =	vsel vm6, $0x0, v6;
	v58 =	vsel vm5, $0x0, v6  }
0xed: {  	vm12 =	vcmask $0x3F08;
	vm4 =	vcmask $0x171C;
	vm5 =	vcmask $0x1B20;
	(xrf2) =	vadd.scan.msk.f32 $0xffff, v58  }
0xee: {  	v59 =	vsel vm4, $0x0, v6;
	vm4 =	vcmask $0x1F24;
	v60 =	vsel vm5, $0x0, v6;
	v63, _, _ =	vpop (xrf2)  }
0xef: {  	v61 =	vsel vm4, $0x0, v6;
	vm5 =	vcmask $0x2328;
	vm4 =	vcmask $0x272C;
	v18, _, _ =	vpop (xrf2)  }
0xf0: {  	v62 =	vsel vm5, $0x0, v6;
	vm5 =	vcmask $0x2B30;
	(xrf2) =	vadd.scan.msk.f32 $0xffff, v59;
	v20, _, _ =	vpop (xrf2);
	v9 =	vbroadcast v18, $0xF  }
0xf1: {  	v17 =	vsel vm4, $0x0, v6;
	v19 =	vsel vm5, $0x0, v6;
	v10 =	vbroadcast v20, $0xF  }
0xf2: {  	vm5 =	vcmask $0x3F04;
	(xrf2) =	vadd.scan.msk.f32 $0xffff, v60;
	v22, _, _ =	vpop (xrf2);
	vm14 =	veq.f32 v9, v6;
	vm4 =	vgt.f32 v9, v6  }
0xf3: {  	v24, _, _ =	vpop (xrf2);
	v31 =	vbroadcast v22, $0xF;
	vm1 =	vmand vm14, vm5;
	vm6 =	veq.f32 v10, v6  }
0xf4: {  	(xrf2) =	vadd.scan.msk.f32 $0xffff, v61;
	vm7 =	vgt.f32 v10, v6;
	v12 =	vbroadcast v24, $0xF;
	vm1 =	vmor vm4, vm1  }
0xf5: {  	(xrf2) =	vadd.scan.msk.f32 $0xffff, v62;
	v26, _, _ =	vpop (xrf2);
	vm2 =	vmand vm6, vm12;
	vm4 =	veq.f32 v31, v6;
	vm5 =	vgt.f32 v31, v6  }
0xf6: {  	(xrf2) =	vadd.scan.msk.f32 $0xffff, v17;
	vm6 =	vcmask $0x3F0C;
	v37 =	vbroadcast v26, $0xF;
	vm12 =	vcmask $0x3F10  }
0xf7: {  	(xrf2) =	vadd.scan.msk.f32 $0xffff, v19;
	v28, _, _ =	vpop (xrf2);
	v33 =	vsel vm1, $0x1, v0;
	vm14 =	vmor vm7, vm2;
	vm1 =	vmand vm4, vm6  }
0xf8: {  	(xrf2) =	vadd.scan.msk.f32 $0xffff, v21;
	vm7 =	veq.f32 v12, v6;
	v9 =	vbroadcast v28, $0xF;
	vm3 =	vgt.f32 v12, v6  }
0xf9: {  	(xrf2) =	vadd.scan.msk.f32 $0xffff, v23;
	v35 =	vsel vm14, $0x1, v0;
	vm1 =	vmor vm5, vm1;
	vm2 =	vmand vm7, vm12  }
0xfa: {  	(xrf2) =	vadd.scan.msk.f32 $0xffff, v25;
	v29, _, _ =	vpop (xrf2);
	vm14 =	veq.f32 v37, v6;
	vm5 =	vgt.f32 v37, v6;
	vm7 =	vcmask $0x3F14  }
0xfb: {  	(xrf2) =	vadd.scan.msk.f32 $0xffff, v27;
	v8 =	vbroadcast v29, $0xF;
	vm4 =	vmand vm14, vm7;
	vm6 =	veq.f32 v9, v6  }
0xfc: {  	v30, _, _ =	vpop (xrf2);
	vm12 =	vgt.f32 v9, v6;
	vm14 =	vcmask $0x3F18;
	vm2 =	vmor vm3, vm2  }
0xfd: {  	v14 =	vbroadcast v30, $0xF;
	v43 =	vsel vm1, $0x1, v0;
	vm6 =	vmand vm6, vm14  }
0xfe: {  	v32, _, _ =	vpop (xrf2);
	vm3 =	vmor vm5, vm4;
	vm5 =	veq.f32 v8, v6;
	vm14 =	vcmask $0x3F1C  }
0xff: {  	v34, _, _ =	vpop (xrf2);
	v11 =	vbroadcast v32, $0xF;
	v44 =	vsel vm2, $0x1, v0;
	vm4 =	vmor vm12, vm6  }
0x100: {  	v36, _, _ =	vpop (xrf2);
	vm12 =	vgt.f32 v8, v6;
	vm7 =	vmand vm5, vm14;
	vm0 =	vgt.f32 v14, v6  }
0x101: {  	v45 =	vsel vm3, $0x1, v0;
	v46 =	vbroadcast v34, $0xF;
	v38, _, _ =	vpop (xrf2);
	vm1 =	vmor vm12, vm7  }
0x102: {  	vm12 =	veq.f32 v14, v6;
	vm6 =	veq.f32 v11, v6;
	v47 =	vsel vm4, $0x1, v0;
	v39, _, _ =	vpop (xrf2)  }
0x103: {  	vm7 =	vgt.f32 v11, v6;
	v49 =	vbroadcast v36, $0xF;
	vm5 =	vmand vm12, vm15;
	v40, _, _ =	vpop (xrf2)  }
0x104: {  	vm2 =	vmand vm6, vm13;
	v48 =	vsel vm1, $0x1, v0;
	vm12 =	veq.f32 v46, v6;
	v41, _, _ =	vpop (xrf2)  }
0x105: {  	vm13 =	vgt.f32 v46, v6;
	v13 =	vbroadcast v38, $0xF;
	vm5 =	vmor vm0, vm5;
	v42, _, _ =	vpop (xrf2)  }
0x106: {  	vm1 =	vmor vm7, vm2;
	vm3 =	vgt.f32 v49, v6;
	v9 =	vbroadcast v42, $0xF  }
0x107: {  	vm15 =	veq.f32 v49, v6;
	vm7 =	vcmask $0x3F2C;
	v52 =	vbroadcast v39, $0xF  }
0x108: {  	v50 =	vsel vm5, $0x1, v0;
	v51 =	vsel vm1, $0x1, v0;
	vm14 =	vgt.f32 v9, v6  }
0x109: {  	v12 =	vbroadcast v40, $0xF;
	vm6 =	veq.f32 v52, v6;
	v9 =	vsel vm14, $0x1, v0  }
0x10a: {  	v10 =	vbroadcast v41, $0xF;
	vm14 =	vcmask $0x3F28;
	v9 =	vadd.s32 v9, v35  }
0x10b: {  	vm2 =	vmand vm12, vm14;
	vm12 =	vmand vm15, vm7;
	v9 =	vadd.s32 v33, v9  }
0x10c: {  	vm14 =	vgt.f32 v13, v6;
	vm7 =	vgt.f32 v52, v6;
	v8 =	vadd.s32 v43, v9  }
0x10d: {  	vm2 =	vmor vm13, vm2;
	vm13 =	veq.f32 v13, v6;
	v8 =	vadd.s32 v44, v8  }
0x10e: {  	vm1 =	vmor vm3, vm12;
	vm12 =	veq.f32 v10, v6;
	v8 =	vadd.s32 v45, v8  }
0x10f: {  	vm4 =	vmand vm13, vm8;
	v53 =	vsel vm2, $0x1, v0;
	v8 =	vadd.s32 v47, v8  }
0x110: {  	v54 =	vsel vm1, $0x1, v0;
	vm2 =	vmand vm6, vm11;
	v8 =	vadd.s32 v48, v8  }
0x111: {  	vm8 =	veq.f32 v12, v6;
	vm11 =	vgt.f32 v12, v6;
	v8 =	vadd.s32 v50, v8  }
0x112: {  	vm13 =	vgt.f32 v10, v6;
	vm15 =	vmor vm14, vm4;
	v8 =	vadd.s32 v51, v8  }
0x113: {  	vm1 =	vmor vm7, vm2;
	v55 =	vsel vm15, $0x1, v0;
	v8 =	vadd.s32 v53, v8  }
0x114: {  	v57 =	vld [tilespmem:$0x380];
	v56 =	vsel vm1, $0x1, v0;
	vm1 =	vmand vm8, vm10;
	v8 =	vadd.s32 v54, v8  }
0x115: {  	vm2 =	vmand vm12, vm9;
	vm1 =	vmor vm11, vm1;
	v8 =	vadd.s32 v55, v8  }
0x116: {  	vm14 =	vmor vm13, vm2;
	v58 =	vsel vm1, $0x1, v0;
	v8 =	vadd.s32 v56, v8  }
0x117: {  	v59 =	vsel vm14, $0x1, v0;
	v8 =	vadd.s32 v58, v8  }
0x118: {  	v8 =	vadd.s32 v59, v8  }
0x119: {  	vm15 =	vlt.s32 v8, v57  }
0x11a: {  	v6 =	vnsel vm15, $0x0, v6  }
0x11b: {  	(xrf0) =	vmax.scan.msk.f32 $0xffff, v6;
	_ =	sdelay $0x5  }
0x11c: {  	v60, _, _ =	vpop (xrf0)  }
0x11d: {  	v8 =	vbroadcast v60, $0xF;
	_ =	sdelay $0x1  }
0x11e: {  	v6 =	vsub.f32 v6, v8  }
0x11f: {  	v7 =	vbroadcast v63, $0xF  }
0x120: {  	v6 =	vmul.f32 $1.442695020e+00, v6  }
0x121: {  	(erf) = vrcp.f32 v7  }
0x122: {  	(erf) = vpow2.f32 v6;
	_ =	sdelay $0x7  }
0x123: {  	v61 =	vpop (erf)  }
0x124: {  	v62 =	vpop (erf)  }
0x125: {  	(xrf2) =	vadd.scan.msk.f32 $0xffff, v62;
	_ =	sdelay $0x9  }
0x126: {  	v63, _, _ =	vpop (xrf2)  }
0x127: {  	v8 =	vbroadcast v63, $0xF;
	_ =	sdelay $0x1  }
0x128: {  	(erf) = vrcp.f32 v8;
	_ =	sdelay $0x6  }
0x129: {  	v1 =	vmul.f32 v2, v1  }
0x12a: {  	v2 =	vmul.f32 v5, v3  }
0x12b: {  	[tilespmem:$0x400] =	vst v1;
	v1 =	vmul.f32 v61, v4;
	v3 =	vpop (erf)  }
0x12c: {  	[tilespmem:$0x480] =	vst v2;
	v2 =	vmul.f32 v3, v62  }
0x12d: {  	p0 =	sne.s32 s5, $0x1;
	[tilespmem:$0x500] =	vst v1  }
.Ltmp1:
0x12e: {  	[tilespmem:$0x580] =	vst v2;
	(pc) =	sbr.rel @p0 .LBB2_2-.Ltmp1, $4  }
0x12f: {  	[hbm4b:s4+s6] =	stream.linear.scatter [tilespmem:s9], [sflag:$0x1], $0x200, $0x38;
	[tilespmem:$0x600] =	vst v63  }
0x130: {  	_ =	swait.ge [sflag:s7], $0x200  }
0x131: {  	[sflag:s7] =	ssyncset.done $0x0  }
0x132: {  	s5 =	sadd.s32 $0xFFFFFFFF, s5;
	[sflag:s7] =	ssyncadd.s32 $0xFFFFFE00  }
.LBB2_3:
0x133: {  	_ =	sfence.sel $0x180000  }
0x134: {  	[bflag:$0x0] =	sbarrier.arrive $0xFFFF  }
0x135: {  	p0 =	sne.s32 s0, $0x0;
	_ =	strace $0x90000047  }
0x136: {  	s0 =	sadd.s32 @!p0 $0x100000, s2;
	[bflag:$0x2] =	sbarrier.arrive $0xFFFF  }
0x137: {  	[sflag:s0] =	ssyncadd.tile.s32 @!p0 $0x1;
	_ =	shalt  }
.Lfunc_end2:
_tile_overlayer_lowered:
.L_overlay_start_2:
0x138: {  	(tag) =	ssettag $0x2  }
0x139: {  	s0 =	rddreg [dreg:$0x0];
	s2 =	stileid.u32  }
0x13a: {  	s1 =	rddreg [dreg:$0x1];
	p0 =	sne.s32 s2, $0x0  }
0x13b: {  	s3 =	rddreg [dreg:$0x2];
	[bflag:$0x3] =	sbarrier.arrive $0xFFFF;
	s2 =	simm.s32 @!p0 $0x1C01  }
0x13c: {  	[timem:s3], [sflag:s2] =	dma.local @!p0 [hbm:s0], s1  }
0x13d: {  	s0 =	simm.s32 @!p0 $0x1  }
0x13e: {  	_ =	swait.ge @!p0 [sflag:s0], s1  }
0x13f: {  	s1 =	ssub.s32 @!p0 $0x0, s1;
	[sflag:s0] =	ssyncset.done @!p0 $0x0  }
0x140: {  	[sflag:s0] =	ssyncadd.s32 @!p0 s1  }
0x141: {  	[bflag:$0x3] =	sbarrier.arrive $0xFFFF  }
0x142: {  	_ =	shalt  }

</sc_bundles>
